<compile_context>
chip_gen: v7x
topology: tpu7x:2x2x1
jax: 0.10.2.dev20260603
libtpu: 0.0.44.dev20260713+nightly
codegen_flags: <defaults>
</compile_context>

<pallas_src>
import jax
import jax.numpy as jnp
from jax import lax
from jax.experimental import pallas as pl
from jax.experimental.pallas import tpu as pltpu
from jax.experimental.pallas import tpu_sc as plsc

H = 512
N_T = 10000
N_E = 10000
E = 160000
NUM_GRAPHS = 64
NUM_CLASSES = 32

NW = 32
EPW = E // NW
K = 40
NCH = EPW // K
N_PAD = 10240
RPT = N_PAD // 16

R_BLK = 1000
N_BLK = N_T // R_BLK

HI = lax.Precision.HIGHEST



def _sc_body(xt2, he, sf0, sf1, sbt, dff, dbt, zrow, zcnt, ones_h,
             off0, off1, obt, ocf, ocb,
             acc, cntf, cntb, sidx, didx, rows0, ones_v, sem0):
  c = lax.axis_index("c")
  s = lax.axis_index("s")
  wid = s * 2 + c
  base = s * RPT

  def do_pass(x_hbm, src_hbm, dst_hbm, cnt_ref):
    pltpu.sync_copy(src_hbm.at[wid], sidx)
    pltpu.sync_copy(dst_hbm.at[wid], didx)
    def chunk(j, carry):
      pltpu.async_copy(x_hbm.at[sidx.at[j]], rows0, sem0).wait()
      pltpu.sync_copy(rows0, acc.at[didx.at[j]], add=True)
      if cnt_ref is not None:
        pltpu.sync_copy(ones_v, cnt_ref.at[didx.at[j]], add=True)
      return carry

    lax.fori_loop(0, NCH, chunk, 0)

  def zero_acc():
    pltpu.sync_copy(zrow.at[pl.ds(base, RPT)], acc.at[pl.ds(base, RPT)])

  zero_acc()
  pltpu.sync_copy(zcnt.at[pl.ds(base, RPT)], cntf.at[pl.ds(base, RPT)])
  pltpu.sync_copy(zcnt.at[pl.ds(base, RPT)], cntb.at[pl.ds(base, RPT)])
  pltpu.sync_copy(ones_h, ones_v)
  plsc.subcore_barrier()

  passes = (
      (xt2, sf0, dff, cntf, off0),
      (xt2, sf1, dff, None, off1),
      (he, sbt, dbt, cntb, obt),
  )
  for x_hbm, src_hbm, dst_hbm, cnt_ref, out_ref in passes:
    do_pass(x_hbm, src_hbm, dst_hbm, cnt_ref)
    plsc.subcore_barrier()
    pltpu.sync_copy(acc.at[pl.ds(base, RPT)], out_ref.at[c, pl.ds(base, RPT)])
    zero_acc()
    plsc.subcore_barrier()

  pltpu.sync_copy(cntf.at[pl.ds(base, RPT)], ocf.at[c, pl.ds(base, RPT)])
  pltpu.sync_copy(cntb.at[pl.ds(base, RPT)], ocb.at[c, pl.ds(base, RPT)])


def _sc_aggregate(xt2, he, sf0, sf1, sbt, dff, dbt, zrow, zcnt, ones_h):
  mesh = plsc.VectorSubcoreMesh(core_axis_name="c", subcore_axis_name="s")
  f32 = jnp.float32
  slab = jax.ShapeDtypeStruct((2, N_PAD, 128), f32)
  cnts = jax.ShapeDtypeStruct((2, N_PAD, 16), f32)
  return pl.kernel(
      _sc_body,
      out_type=(slab, slab, slab, cnts, cnts),
      mesh=mesh,
      scratch_types=[
          pltpu.VMEM_SHARED((N_PAD, 128), f32),
          pltpu.VMEM_SHARED((N_PAD, 16), f32),
          pltpu.VMEM_SHARED((N_PAD, 16), f32),
          pltpu.VMEM((NCH, K), jnp.int32),
          pltpu.VMEM((NCH, K), jnp.int32),
          pltpu.VMEM((K, 128), f32),
          pltpu.VMEM((K, 16), f32),
          pltpu.SemaphoreType.DMA,
      ],
      compiler_params=pltpu.CompilerParams(use_tc_tiling_on_sc=False),
  )(xt2, he, sf0, sf1, sbt, dff, dbt, zrow, zcnt, ones_h)



def _tc_body(off0, off1, obt, cff, cbt, xt, tb,
             wpt, wpe, wlff, wlbt, wrff, wrbt, blff, blbt, wlin, blin,
             wh, bh,
             head_o, aff, abt, bcm, psum, pcnt):
  i = pl.program_id(0)
  f32 = jnp.float32
  dn = (((1,), (0,)), ((), ()))
  dnt = (((1,), (1,)), ((), ()))

  bf = lambda a: a.astype(jnp.bfloat16).astype(f32)

  @pl.when(i == 0)
  def _():
    aff[...] = lax.dot_general(bf(wlff[...]), bf(wpt[...]), dn,
                               preferred_element_type=f32, precision=HI)
    abt[...] = lax.dot_general(bf(wlbt[...]), bf(wpe[...]), dn,
                               preferred_element_type=f32, precision=HI)
    bcm[...] = lax.dot_general(bf(wrff[...]) + bf(wrbt[...]), bf(wpt[...]), dn,
                               preferred_element_type=f32, precision=HI)
    psum[...] = jnp.zeros_like(psum)
    pcnt[...] = jnp.zeros_like(pcnt)

  nff = jnp.maximum(cff[0, :, 0] + cff[1, :, 0], 1.0)
  nbt = jnp.maximum(cbt[0, :, 0] + cbt[1, :, 0], 1.0)
  mff = jnp.concatenate(
      [off0[0] + off0[1], off1[0] + off1[1]], axis=1) / nff[:, None]
  mbt = (obt[0] + obt[1]) / nbt[:, None]

  o = (lax.dot_general(mff, aff[...], dnt, preferred_element_type=f32,
                       precision=HI)
       + lax.dot_general(mbt, abt[...], dnt, preferred_element_type=f32,
                         precision=HI)
       + lax.dot_general(xt[...], bcm[...], dnt, preferred_element_type=f32,
                         precision=HI)
       + (blff[...] + blbt[...])[None, :])
  t = jnp.maximum(
      lax.dot_general(o, bf(wlin[...]), dnt, preferred_element_type=f32,
                      precision=HI)
      + blin[...][None, :], 0.0)

  ids = tb[0, 0, :]
  p = (ids[:, None] == lax.broadcasted_iota(jnp.int32, (R_BLK, NUM_GRAPHS),
                                            1)).astype(f32)
  psum[...] += lax.dot_general(p, t, (((0,), (0,)), ((), ())),
                               preferred_element_type=f32, precision=HI)
  pcnt[...] += jnp.sum(p, axis=0)

  @pl.when(i == N_BLK - 1)
  def _():
    pooled = psum[...] / jnp.maximum(pcnt[...], 1.0)[:, None]
    head_o[...] = (lax.dot_general(bf(pooled), bf(wh[...]), dnt,
                                   preferred_element_type=f32, precision=HI)
                   + bh[...][None, :])


def _tc_dense(off0, off1, obt, cff, cbt, x_trace, tb3,
              wpt, wpe, wlff, wlbt, wrff, wrbt, blff, blbt, wlin, blin,
              wh, bh):
  f32 = jnp.float32
  full = lambda shp: pl.BlockSpec(shp, lambda i: tuple(0 for _ in shp))
  slab_spec = pl.BlockSpec((2, R_BLK, 128), lambda i: (0, i, 0))
  grid_spec = pltpu.PrefetchScalarGridSpec(
      num_scalar_prefetch=0,
      grid=(N_BLK,),
      in_specs=[
          slab_spec, slab_spec, slab_spec,
          pl.BlockSpec((2, R_BLK, 16), lambda i: (0, i, 0)),
          pl.BlockSpec((2, R_BLK, 16), lambda i: (0, i, 0)),
          pl.BlockSpec((R_BLK, 256), lambda i: (i, 0)),
          pl.BlockSpec((1, 1, R_BLK), lambda i: (i, 0, 0)),
          full((H, 256)), full((H, 128)),
          full((H, H)), full((H, H)), full((H, H)), full((H, H)),
          full((H,)), full((H,)),
          full((H, H)), full((H,)),
          full((NUM_GRAPHS, H)), full((NUM_GRAPHS,)),
      ],
      out_specs=[
          pl.BlockSpec((NUM_GRAPHS, NUM_GRAPHS), lambda i: (0, 0)),
      ],
      scratch_shapes=[
          pltpu.VMEM((H, 256), f32),
          pltpu.VMEM((H, 128), f32),
          pltpu.VMEM((H, 256), f32),
          pltpu.VMEM((NUM_GRAPHS, H), f32),
          pltpu.VMEM((NUM_GRAPHS,), f32),
      ],
  )
  return pl.pallas_call(
      _tc_body,
      grid_spec=grid_spec,
      out_shape=(jax.ShapeDtypeStruct((NUM_GRAPHS, NUM_GRAPHS), f32),),
  )(off0, off1, obt, cff, cbt, x_trace, tb3,
    wpt, wpe, wlff, wlbt, wrff, wrbt, blff, blbt, wlin, blin, wh, bh)[0]



def kernel(x_trace, x_event, ei_follows, ei_belongs, ei_contains,
           trace_batch, Wp_trace, Wp_event,
           Wl_ff, bl_ff, Wr_ff, Wl_bt, bl_bt, Wr_bt, Wl_ce, bl_ce, Wr_ce,
           Wlin_trace, blin_trace, Wlin_event, blin_event,
           Wact, bact, Wtime, btime, Wrem, brem):
  i32 = jnp.int32
  f32 = jnp.float32

  xt2 = x_trace.reshape(N_T * 2, 128)
  src_ff = ei_follows[0].astype(i32)
  sf0 = (src_ff * 2).reshape(NW, NCH, K)
  sf1 = (src_ff * 2 + 1).reshape(NW, NCH, K)
  sbt = ei_belongs[0].astype(i32).reshape(NW, NCH, K)
  dff = ei_follows[1].astype(i32).reshape(NW, NCH, K)
  dbt = ei_belongs[1].astype(i32).reshape(NW, NCH, K)
  zrow = jnp.zeros((N_PAD, 128), f32)
  zcnt = jnp.zeros((N_PAD, 16), f32)
  ones_h = jnp.ones((K, 16), f32)

  off0, off1, obt, cff, cbt = _sc_aggregate(
      xt2, x_event, sf0, sf1, sbt, dff, dbt, zrow, zcnt, ones_h)

  tb3 = trace_batch.astype(i32).reshape(N_BLK, 1, R_BLK)
  npad = NUM_GRAPHS - NUM_CLASSES - 2
  wh = jnp.concatenate([Wact, Wtime, Wrem, jnp.zeros((npad, H), f32)], axis=0)
  bh = jnp.concatenate([bact, btime, brem, jnp.zeros((npad,), f32)])
  hout = _tc_dense(
      off0, off1, obt, cff, cbt, x_trace, tb3,
      Wp_trace, Wp_event, Wl_ff, Wl_bt, Wr_ff, Wr_bt, bl_ff, bl_bt,
      Wlin_trace, blin_trace, wh, bh)
  return (hout[:, :NUM_CLASSES], hout[:, NUM_CLASSES],
          hout[:, NUM_CLASSES + 1])

# --- scband reference (transcript-rebuilt; emitter-appended) ---
"""Pipeline reference for scband-hetero-gnn-25589415150286 (READ-ONLY COPY).

The authoritative reference and input builder live on the scoring server;
editing this copy changes nothing except your own understanding.
"""

import jax, jax.numpy as jnp
import numpy as np

H = 512
N_T = 10000
N_E = 10000
E = 160000
NUM_GRAPHS = 64
NUM_CLASSES = 32


def _sage(x_src, x_dst, ei, Wl, bl, Wr, num_dst):
    # PyG SAGEConv (aggr='mean'): out = lin_l(mean_j x_j) + lin_r(x_i)
    src, dst = ei[0], ei[1]
    msgs = jnp.take(x_src, src, axis=0)
    agg = jax.ops.segment_sum(msgs, dst, num_segments=num_dst)
    cnt = jax.ops.segment_sum(jnp.ones((dst.shape[0],), msgs.dtype), dst, num_segments=num_dst)
    mean = agg / jnp.maximum(cnt, 1.0)[:, None]
    return mean @ Wl.T + bl + x_dst @ Wr.T


def setup_inputs(seed: int = 0):
    key = jax.random.key(seed)
    ks = jax.random.split(key, 32)
    s = 0.02
    inp = {}
    inp["x_trace"] = jax.random.normal(ks[0], (N_T, 256), jnp.float32)
    inp["x_event"] = jax.random.normal(ks[1], (N_E, 128), jnp.float32)
    inp["ei_follows"] = jax.random.randint(ks[2], (2, E), 0, N_T)
    inp["ei_belongs"] = jax.random.randint(ks[3], (2, E), 0, N_T)
    inp["ei_contains"] = jax.random.randint(ks[4], (2, E), 0, N_E)
    inp["trace_batch"] = jnp.sort(jax.random.randint(ks[5], (N_T,), 0, NUM_GRAPHS))
    # input projectors (bias=False)
    inp["Wp_trace"] = jax.random.normal(ks[6], (H, 256), jnp.float32) * s
    inp["Wp_event"] = jax.random.normal(ks[7], (H, 128), jnp.float32) * s
    # SAGEConv params per relation: lin_l (with bias), lin_r (no bias)
    inp["Wl_ff"] = jax.random.normal(ks[8], (H, H), jnp.float32) * s
    inp["bl_ff"] = jnp.zeros((H,), jnp.float32)
    inp["Wr_ff"] = jax.random.normal(ks[9], (H, H), jnp.float32) * s
    inp["Wl_bt"] = jax.random.normal(ks[10], (H, H), jnp.float32) * s
    inp["bl_bt"] = jnp.zeros((H,), jnp.float32)
    inp["Wr_bt"] = jax.random.normal(ks[11], (H, H), jnp.float32) * s
    inp["Wl_ce"] = jax.random.normal(ks[12], (H, H), jnp.float32) * s
    inp["bl_ce"] = jnp.zeros((H,), jnp.float32)
    inp["Wr_ce"] = jax.random.normal(ks[13], (H, H), jnp.float32) * s
    # per-type post linear
    inp["Wlin_trace"] = jax.random.normal(ks[14], (H, H), jnp.float32) * s
    inp["blin_trace"] = jnp.zeros((H,), jnp.float32)
    inp["Wlin_event"] = jax.random.normal(ks[15], (H, H), jnp.float32) * s
    inp["blin_event"] = jnp.zeros((H,), jnp.float32)
    # heads
    inp["Wact"] = jax.random.normal(ks[16], (NUM_CLASSES, H), jnp.float32) * s
    inp["bact"] = jnp.zeros((NUM_CLASSES,), jnp.float32)
    inp["Wtime"] = jax.random.normal(ks[17], (1, H), jnp.float32) * s
    inp["btime"] = jnp.zeros((1,), jnp.float32)
    inp["Wrem"] = jax.random.normal(ks[18], (1, H), jnp.float32) * s
    inp["brem"] = jnp.zeros((1,), jnp.float32)
    return inp


def reference(x_trace, x_event, ei_follows, ei_belongs, ei_contains, trace_batch,
              Wp_trace, Wp_event,
              Wl_ff, bl_ff, Wr_ff,
              Wl_bt, bl_bt, Wr_bt,
              Wl_ce, bl_ce, Wr_ce,
              Wlin_trace, blin_trace, Wlin_event, blin_event,
              Wact, bact, Wtime, btime, Wrem, brem):
    # input projection
    h_trace = x_trace @ Wp_trace.T
    h_event = x_event @ Wp_event.T
    # HeteroConv with aggr='sum' over relations sharing a dst type
    o_trace = _sage(h_trace, h_trace, ei_follows, Wl_ff, bl_ff, Wr_ff, N_T) \
            + _sage(h_event, h_trace, ei_belongs, Wl_bt, bl_bt, Wr_bt, N_T)
    o_event = _sage(h_trace, h_event, ei_contains, Wl_ce, bl_ce, Wr_ce, N_E)
    # per-type linear + relu (dropout is identity in eval)
    t = jax.nn.relu(o_trace @ Wlin_trace.T + blin_trace)
    e = jax.nn.relu(o_event @ Wlin_event.T + blin_event)
    _ = e  # event features unused by the heads, kept for faithfulness
    # global mean pool over trace nodes
    psum = jax.ops.segment_sum(t, trace_batch, num_segments=NUM_GRAPHS)
    pcnt = jax.ops.segment_sum(jnp.ones((t.shape[0],), t.dtype), trace_batch, num_segments=NUM_GRAPHS)
    pooled = psum / jnp.maximum(pcnt, 1.0)[:, None]
    act = pooled @ Wact.T + bact
    time = (pooled @ Wtime.T + btime).squeeze(-1)
    rem = (pooled @ Wrem.T + brem).squeeze(-1)
    return (act, time, rem)

if __name__ == "__main__":
    import jax
    _d = setup_inputs()
    print(jax.jit(kernel)(*tuple(_d.values())))

</pallas_src>

<mosaic_0001>
#map = affine_map<(d0, d1) -> (0, 0)>
#map1 = affine_map<(d0, d1) -> (0, 0, 0)>
module attributes {stable_mosaic.version = 14 : i64} {
  func.func @_sc_body(%arg0: i32, %arg1: i32, %arg2: memref<20000x128xf32, #tpu.memory_space<hbm>>, %arg3: memref<10000x128xf32, #tpu.memory_space<hbm>>, %arg4: memref<32x125x40xi32, #tpu.memory_space<hbm>>, %arg5: memref<32x125x40xi32, #tpu.memory_space<hbm>>, %arg6: memref<32x125x40xi32, #tpu.memory_space<hbm>>, %arg7: memref<32x125x40xi32, #tpu.memory_space<hbm>>, %arg8: memref<32x125x40xi32, #tpu.memory_space<hbm>>, %arg9: memref<10240x128xf32, #tpu.memory_space<hbm>>, %arg10: memref<10240x16xf32, #tpu.memory_space<hbm>>, %arg11: memref<40x16xf32, #tpu.memory_space<hbm>>, %arg12: memref<2x10240x128xf32, #tpu.memory_space<hbm>>, %arg13: memref<2x10240x128xf32, #tpu.memory_space<hbm>>, %arg14: memref<2x10240x128xf32, #tpu.memory_space<hbm>>, %arg15: memref<2x10240x16xf32, #tpu.memory_space<hbm>>, %arg16: memref<2x10240x16xf32, #tpu.memory_space<hbm>>, %arg17: memref<10240x128xf32, #tpu.memory_space<vmem_shared>>, %arg18: memref<10240x16xf32, #tpu.memory_space<vmem_shared>>, %arg19: memref<10240x16xf32, #tpu.memory_space<vmem_shared>>, %arg20: memref<125x40xi32, #tpu.memory_space<vmem>>, %arg21: memref<125x40xi32, #tpu.memory_space<vmem>>, %arg22: memref<40x128xf32, #tpu.memory_space<vmem>>, %arg23: memref<40x16xf32, #tpu.memory_space<vmem>>, %arg24: memref<!tpu.dma_semaphore, #tpu.memory_space<semaphore_mem>>) attributes {dimension_semantics = [#tpu.dimension_semantics<core_parallel>, #tpu.dimension_semantics<subcore_parallel>], iteration_bounds = array<i64: 2, 16>, scalar_prefetch = 0 : i64, scratch_operands = 8 : i64, tpu.core_type = #tpu.core_type<sc_vector_subcore>, window_params = [{transform_indices = #map}, {transform_indices = #map}, {transform_indices = #map1}, {transform_indices = #map1}, {transform_indices = #map1}, {transform_indices = #map1}, {transform_indices = #map1}, {transform_indices = #map}, {transform_indices = #map}, {transform_indices = #map}, {transform_indices = #map1}, {transform_indices = #map1}, {transform_indices = #map1}, {transform_indices = #map1}, {transform_indices = #map1}]} {
    %mul3A = arith.constant 2 : i32
    %mul3A_0 = arith.muli %arg1, %mul3A : i32
    %add3A = arith.addi %mul3A_0, %arg0 : i32
    %mul3A_1 = arith.constant 640 : i32
    %mul3A_2 = arith.muli %arg1, %mul3A_1 : i32
    "tpu.region"() ({
      %run_scoped3A = tpu.sem_alloc : memref<!tpu.dma_semaphore, #tpu.memory_space<semaphore_mem>>
      %dma_start3A = arith.constant 0 : i32
      %dma_start3A_26 = tpu.memref_slice %arg17[%mul3A_2, %dma_start3A] : memref<10240x128xf32, #tpu.memory_space<vmem_shared>> -> memref<640x128xf32, #tpu.memory_space<vmem_shared>>
      %dma_start3A_27 = arith.constant 0 : i32
      %dma_start3A_28 = tpu.memref_slice %arg9[%mul3A_2, %dma_start3A_27] : memref<10240x128xf32, #tpu.memory_space<hbm>> -> memref<640x128xf32, #tpu.memory_space<hbm>>
      tpu.enqueue_dma source(%dma_start3A_28 : memref<640x128xf32, #tpu.memory_space<hbm>>) target(%dma_start3A_26 : memref<640x128xf32, #tpu.memory_space<vmem_shared>>) target_semaphore(%run_scoped3A : memref<!tpu.dma_semaphore, #tpu.memory_space<semaphore_mem>>)
      %dma_wait3A = arith.constant 0 : i32
      %dma_wait3A_29 = tpu.memref_slice %arg17[%mul3A_2, %dma_wait3A] : memref<10240x128xf32, #tpu.memory_space<vmem_shared>> -> memref<640x128xf32, #tpu.memory_space<vmem_shared>>
      %dma_wait3A_30 = arith.constant 0 : i32
      %dma_wait3A_31 = tpu.memref_slice %arg9[%mul3A_2, %dma_wait3A_30] : memref<10240x128xf32, #tpu.memory_space<hbm>> -> memref<640x128xf32, #tpu.memory_space<hbm>>
      tpu.wait_dma2 semaphore(%run_scoped3A : memref<!tpu.dma_semaphore, #tpu.memory_space<semaphore_mem>>) src(%dma_wait3A_31 : memref<640x128xf32, #tpu.memory_space<hbm>>) dst(%dma_wait3A_29 : memref<640x128xf32, #tpu.memory_space<vmem_shared>>)
      tpu.yield
    }) : () -> ()
    "tpu.region"() ({
      %run_scoped3A = tpu.sem_alloc : memref<!tpu.dma_semaphore, #tpu.memory_space<semaphore_mem>>
      %dma_start3A = arith.constant 0 : i32
      %dma_start3A_26 = tpu.memref_slice %arg18[%mul3A_2, %dma_start3A] : memref<10240x16xf32, #tpu.memory_space<vmem_shared>> -> memref<640x16xf32, #tpu.memory_space<vmem_shared>>
      %dma_start3A_27 = arith.constant 0 : i32
      %dma_start3A_28 = tpu.memref_slice %arg10[%mul3A_2, %dma_start3A_27] : memref<10240x16xf32, #tpu.memory_space<hbm>> -> memref<640x16xf32, #tpu.memory_space<hbm>>
      tpu.enqueue_dma source(%dma_start3A_28 : memref<640x16xf32, #tpu.memory_space<hbm>>) target(%dma_start3A_26 : memref<640x16xf32, #tpu.memory_space<vmem_shared>>) target_semaphore(%run_scoped3A : memref<!tpu.dma_semaphore, #tpu.memory_space<semaphore_mem>>)
      %dma_wait3A = arith.constant 0 : i32
      %dma_wait3A_29 = tpu.memref_slice %arg18[%mul3A_2, %dma_wait3A] : memref<10240x16xf32, #tpu.memory_space<vmem_shared>> -> memref<640x16xf32, #tpu.memory_space<vmem_shared>>
      %dma_wait3A_30 = arith.constant 0 : i32
      %dma_wait3A_31 = tpu.memref_slice %arg10[%mul3A_2, %dma_wait3A_30] : memref<10240x16xf32, #tpu.memory_space<hbm>> -> memref<640x16xf32, #tpu.memory_space<hbm>>
      tpu.wait_dma2 semaphore(%run_scoped3A : memref<!tpu.dma_semaphore, #tpu.memory_space<semaphore_mem>>) src(%dma_wait3A_31 : memref<640x16xf32, #tpu.memory_space<hbm>>) dst(%dma_wait3A_29 : memref<640x16xf32, #tpu.memory_space<vmem_shared>>)
      tpu.yield
    }) : () -> ()
    "tpu.region"() ({
      %run_scoped3A = tpu.sem_alloc : memref<!tpu.dma_semaphore, #tpu.memory_space<semaphore_mem>>
      %dma_start3A = arith.constant 0 : i32
      %dma_start3A_26 = tpu.memref_slice %arg19[%mul3A_2, %dma_start3A] : memref<10240x16xf32, #tpu.memory_space<vmem_shared>> -> memref<640x16xf32, #tpu.memory_space<vmem_shared>>
      %dma_start3A_27 = arith.constant 0 : i32
      %dma_start3A_28 = tpu.memref_slice %arg10[%mul3A_2, %dma_start3A_27] : memref<10240x16xf32, #tpu.memory_space<hbm>> -> memref<640x16xf32, #tpu.memory_space<hbm>>
      tpu.enqueue_dma source(%dma_start3A_28 : memref<640x16xf32, #tpu.memory_space<hbm>>) target(%dma_start3A_26 : memref<640x16xf32, #tpu.memory_space<vmem_shared>>) target_semaphore(%run_scoped3A : memref<!tpu.dma_semaphore, #tpu.memory_space<semaphore_mem>>)
      %dma_wait3A = arith.constant 0 : i32
      %dma_wait3A_29 = tpu.memref_slice %arg19[%mul3A_2, %dma_wait3A] : memref<10240x16xf32, #tpu.memory_space<vmem_shared>> -> memref<640x16xf32, #tpu.memory_space<vmem_shared>>
      %dma_wait3A_30 = arith.constant 0 : i32
      %dma_wait3A_31 = tpu.memref_slice %arg10[%mul3A_2, %dma_wait3A_30] : memref<10240x16xf32, #tpu.memory_space<hbm>> -> memref<640x16xf32, #tpu.memory_space<hbm>>
      tpu.wait_dma2 semaphore(%run_scoped3A : memref<!tpu.dma_semaphore, #tpu.memory_space<semaphore_mem>>) src(%dma_wait3A_31 : memref<640x16xf32, #tpu.memory_space<hbm>>) dst(%dma_wait3A_29 : memref<640x16xf32, #tpu.memory_space<vmem_shared>>)
      tpu.yield
    }) : () -> ()
    "tpu.region"() ({
      %run_scoped3A = tpu.sem_alloc : memref<!tpu.dma_semaphore, #tpu.memory_space<semaphore_mem>>
      tpu.enqueue_dma source(%arg11 : memref<40x16xf32, #tpu.memory_space<hbm>>) target(%arg23 : memref<40x16xf32, #tpu.memory_space<vmem>>) target_semaphore(%run_scoped3A : memref<!tpu.dma_semaphore, #tpu.memory_space<semaphore_mem>>)
      tpu.wait_dma2 semaphore(%run_scoped3A : memref<!tpu.dma_semaphore, #tpu.memory_space<semaphore_mem>>) src(%arg11 : memref<40x16xf32, #tpu.memory_space<hbm>>) dst(%arg23 : memref<40x16xf32, #tpu.memory_space<vmem>>)
      tpu.yield
    }) : () -> ()
    %barrier3A = arith.constant 0 : index
    tpu.barrier barrier_id(%barrier3A)
    "tpu.region"() ({
      %run_scoped3A = tpu.sem_alloc : memref<!tpu.dma_semaphore, #tpu.memory_space<semaphore_mem>>
      %dma_start3A = arith.constant 0 : i32
      %dma_start3A_26 = arith.constant 0 : i32
      %dma_start3A_27 = tpu.memref_slice %arg4[%add3A, %dma_start3A, %dma_start3A_26] : memref<32x125x40xi32, #tpu.memory_space<hbm>> -> memref<1x125x40xi32, #tpu.memory_space<hbm>>
      %dma_start3A_28 = tpu.memref_squeeze %dma_start3A_27 : memref<1x125x40xi32, #tpu.memory_space<hbm>> -> memref<125x40xi32, #tpu.memory_space<hbm>>
      %dma_start3A_29 = arith.constant 0 : i32
      %dma_start3A_30 = arith.constant 0 : i32
      %dma_start3A_31 = tpu.memref_slice %arg4[%add3A, %dma_start3A_29, %dma_start3A_30] : memref<32x125x40xi32, #tpu.memory_space<hbm>> -> memref<1x125x40xi32, #tpu.memory_space<hbm>>
      %dma_start3A_32 = tpu.memref_squeeze %dma_start3A_31 : memref<1x125x40xi32, #tpu.memory_space<hbm>> -> memref<125x40xi32, #tpu.memory_space<hbm>>
      tpu.enqueue_dma source(%dma_start3A_32 : memref<125x40xi32, #tpu.memory_space<hbm>>) target(%arg20 : memref<125x40xi32, #tpu.memory_space<vmem>>) target_semaphore(%run_scoped3A : memref<!tpu.dma_semaphore, #tpu.memory_space<semaphore_mem>>)
      %dma_wait3A = arith.constant 0 : i32
      %dma_wait3A_33 = arith.constant 0 : i32
      %dma_wait3A_34 = tpu.memref_slice %arg4[%add3A, %dma_wait3A, %dma_wait3A_33] : memref<32x125x40xi32, #tpu.memory_space<hbm>> -> memref<1x125x40xi32, #tpu.memory_space<hbm>>
      %dma_wait3A_35 = tpu.memref_squeeze %dma_wait3A_34 : memref<1x125x40xi32, #tpu.memory_space<hbm>> -> memref<125x40xi32, #tpu.memory_space<hbm>>
      %dma_wait3A_36 = arith.constant 0 : i32
      %dma_wait3A_37 = arith.constant 0 : i32
      %dma_wait3A_38 = tpu.memref_slice %arg4[%add3A, %dma_wait3A_36, %dma_wait3A_37] : memref<32x125x40xi32, #tpu.memory_space<hbm>> -> memref<1x125x40xi32, #tpu.memory_space<hbm>>
      %dma_wait3A_39 = tpu.memref_squeeze %dma_wait3A_38 : memref<1x125x40xi32, #tpu.memory_space<hbm>> -> memref<125x40xi32, #tpu.memory_space<hbm>>
      tpu.wait_dma2 semaphore(%run_scoped3A : memref<!tpu.dma_semaphore, #tpu.memory_space<semaphore_mem>>) src(%dma_wait3A_39 : memref<125x40xi32, #tpu.memory_space<hbm>>) dst(%arg20 : memref<125x40xi32, #tpu.memory_space<vmem>>)
      tpu.yield
    }) : () -> ()
    "tpu.region"() ({
      %run_scoped3A = tpu.sem_alloc : memref<!tpu.dma_semaphore, #tpu.memory_space<semaphore_mem>>
      %dma_start3A = arith.constant 0 : i32
      %dma_start3A_26 = arith.constant 0 : i32
      %dma_start3A_27 = tpu.memref_slice %arg7[%add3A, %dma_start3A, %dma_start3A_26] : memref<32x125x40xi32, #tpu.memory_space<hbm>> -> memref<1x125x40xi32, #tpu.memory_space<hbm>>
      %dma_start3A_28 = tpu.memref_squeeze %dma_start3A_27 : memref<1x125x40xi32, #tpu.memory_space<hbm>> -> memref<125x40xi32, #tpu.memory_space<hbm>>
      %dma_start3A_29 = arith.constant 0 : i32
      %dma_start3A_30 = arith.constant 0 : i32
      %dma_start3A_31 = tpu.memref_slice %arg7[%add3A, %dma_start3A_29, %dma_start3A_30] : memref<32x125x40xi32, #tpu.memory_space<hbm>> -> memref<1x125x40xi32, #tpu.memory_space<hbm>>
      %dma_start3A_32 = tpu.memref_squeeze %dma_start3A_31 : memref<1x125x40xi32, #tpu.memory_space<hbm>> -> memref<125x40xi32, #tpu.memory_space<hbm>>
      tpu.enqueue_dma source(%dma_start3A_32 : memref<125x40xi32, #tpu.memory_space<hbm>>) target(%arg21 : memref<125x40xi32, #tpu.memory_space<vmem>>) target_semaphore(%run_scoped3A : memref<!tpu.dma_semaphore, #tpu.memory_space<semaphore_mem>>)
      %dma_wait3A = arith.constant 0 : i32
      %dma_wait3A_33 = arith.constant 0 : i32
      %dma_wait3A_34 = tpu.memref_slice %arg7[%add3A, %dma_wait3A, %dma_wait3A_33] : memref<32x125x40xi32, #tpu.memory_space<hbm>> -> memref<1x125x40xi32, #tpu.memory_space<hbm>>
      %dma_wait3A_35 = tpu.memref_squeeze %dma_wait3A_34 : memref<1x125x40xi32, #tpu.memory_space<hbm>> -> memref<125x40xi32, #tpu.memory_space<hbm>>
      %dma_wait3A_36 = arith.constant 0 : i32
      %dma_wait3A_37 = arith.constant 0 : i32
      %dma_wait3A_38 = tpu.memref_slice %arg7[%add3A, %dma_wait3A_36, %dma_wait3A_37] : memref<32x125x40xi32, #tpu.memory_space<hbm>> -> memref<1x125x40xi32, #tpu.memory_space<hbm>>
      %dma_wait3A_39 = tpu.memref_squeeze %dma_wait3A_38 : memref<1x125x40xi32, #tpu.memory_space<hbm>> -> memref<125x40xi32, #tpu.memory_space<hbm>>
      tpu.wait_dma2 semaphore(%run_scoped3A : memref<!tpu.dma_semaphore, #tpu.memory_space<semaphore_mem>>) src(%dma_wait3A_39 : memref<125x40xi32, #tpu.memory_space<hbm>>) dst(%arg21 : memref<125x40xi32, #tpu.memory_space<vmem>>)
      tpu.yield
    }) : () -> ()
    %scan3A = arith.constant 0 : i32
    %scan3A_3 = arith.constant 0 : i32
    %scan3A_4 = arith.constant 125 : i32
    %scan3A_5 = arith.addi %scan3A_3, %scan3A_4 : i32
    %scan3A_6 = arith.constant 1 : i32
    scf.for %scan3A_26 = %scan3A_3 to %scan3A_5 step %scan3A_6  : i32 {
      %dma_start3A = arith.constant 0 : i32
      %dma_start3A_27 = tpu.memref_slice %arg20[%scan3A_26, %dma_start3A] : memref<125x40xi32, #tpu.memory_space<vmem>> -> memref<1x40xi32, #tpu.memory_space<vmem>>
      %dma_start3A_28 = tpu.memref_squeeze %dma_start3A_27 : memref<1x40xi32, #tpu.memory_space<vmem>> -> memref<40xi32, #tpu.memory_space<vmem>>
      %dma_start3A_29 = arith.constant 0 : i32
      %dma_start3A_30 = arith.constant 0 : i32
      %dma_start3A_31 = tpu.memref_slice %arg2[%dma_start3A_29, %dma_start3A_30] : memref<20000x128xf32, #tpu.memory_space<hbm>> -> memref<20000x128xf32, #tpu.memory_space<hbm>>
      tpu.enqueue_indirect_dma source(%dma_start3A_31 : memref<20000x128xf32, #tpu.memory_space<hbm>>) target(%arg22 : memref<40x128xf32, #tpu.memory_space<vmem>>) offsets(%dma_start3A_28 : memref<40xi32, #tpu.memory_space<vmem>>) semaphore(%arg24 : memref<!tpu.dma_semaphore, #tpu.memory_space<semaphore_mem>>)
      %dma_wait3A = arith.constant 0 : i32
      %dma_wait3A_32 = tpu.memref_slice %arg20[%scan3A_26, %dma_wait3A] : memref<125x40xi32, #tpu.memory_space<vmem>> -> memref<1x40xi32, #tpu.memory_space<vmem>>
      %dma_wait3A_33 = tpu.memref_squeeze %dma_wait3A_32 : memref<1x40xi32, #tpu.memory_space<vmem>> -> memref<40xi32, #tpu.memory_space<vmem>>
      %dma_wait3A_34 = arith.constant 0 : i32
      %dma_wait3A_35 = arith.constant 0 : i32
      %dma_wait3A_36 = tpu.memref_slice %arg2[%dma_wait3A_34, %dma_wait3A_35] : memref<20000x128xf32, #tpu.memory_space<hbm>> -> memref<20000x128xf32, #tpu.memory_space<hbm>>
      tpu.wait_indirect_dma semaphore(%arg24 : memref<!tpu.dma_semaphore, #tpu.memory_space<semaphore_mem>>) src(%dma_wait3A_36 : memref<20000x128xf32, #tpu.memory_space<hbm>>) dst(%arg22 : memref<40x128xf32, #tpu.memory_space<vmem>>)
      "tpu.region"() ({
        %run_scoped3A = tpu.sem_alloc : memref<!tpu.dma_semaphore, #tpu.memory_space<semaphore_mem>>
        %dma_start3A_37 = arith.constant 0 : i32
        %dma_start3A_38 = tpu.memref_slice %arg21[%scan3A_26, %dma_start3A_37] : memref<125x40xi32, #tpu.memory_space<vmem>> -> memref<1x40xi32, #tpu.memory_space<vmem>>
        %dma_start3A_39 = tpu.memref_squeeze %dma_start3A_38 : memref<1x40xi32, #tpu.memory_space<vmem>> -> memref<40xi32, #tpu.memory_space<vmem>>
        %dma_start3A_40 = arith.constant 0 : i32
        %dma_start3A_41 = arith.constant 0 : i32
        %dma_start3A_42 = tpu.memref_slice %arg17[%dma_start3A_40, %dma_start3A_41] : memref<10240x128xf32, #tpu.memory_space<vmem_shared>> -> memref<10240x128xf32, #tpu.memory_space<vmem_shared>>
        tpu.enqueue_indirect_dma source(%arg22 : memref<40x128xf32, #tpu.memory_space<vmem>>) target(%dma_start3A_42 : memref<10240x128xf32, #tpu.memory_space<vmem_shared>>) offsets(%dma_start3A_39 : memref<40xi32, #tpu.memory_space<vmem>>) semaphore(%run_scoped3A : memref<!tpu.dma_semaphore, #tpu.memory_space<semaphore_mem>>) {add = true}
        %dma_wait3A_43 = arith.constant 0 : i32
        %dma_wait3A_44 = tpu.memref_slice %arg21[%scan3A_26, %dma_wait3A_43] : memref<125x40xi32, #tpu.memory_space<vmem>> -> memref<1x40xi32, #tpu.memory_space<vmem>>
        %dma_wait3A_45 = tpu.memref_squeeze %dma_wait3A_44 : memref<1x40xi32, #tpu.memory_space<vmem>> -> memref<40xi32, #tpu.memory_space<vmem>>
        %dma_wait3A_46 = arith.constant 0 : i32
        %dma_wait3A_47 = arith.constant 0 : i32
        %dma_wait3A_48 = tpu.memref_slice %arg17[%dma_wait3A_46, %dma_wait3A_47] : memref<10240x128xf32, #tpu.memory_space<vmem_shared>> -> memref<10240x128xf32, #tpu.memory_space<vmem_shared>>
        tpu.wait_indirect_dma semaphore(%run_scoped3A : memref<!tpu.dma_semaphore, #tpu.memory_space<semaphore_mem>>) src(%arg22 : memref<40x128xf32, #tpu.memory_space<vmem>>) dst(%dma_wait3A_48 : memref<10240x128xf32, #tpu.memory_space<vmem_shared>>)
        tpu.yield
      }) : () -> ()
      "tpu.region"() ({
        %run_scoped3A = tpu.sem_alloc : memref<!tpu.dma_semaphore, #tpu.memory_space<semaphore_mem>>
        %dma_start3A_37 = arith.constant 0 : i32
        %dma_start3A_38 = tpu.memref_slice %arg21[%scan3A_26, %dma_start3A_37] : memref<125x40xi32, #tpu.memory_space<vmem>> -> memref<1x40xi32, #tpu.memory_space<vmem>>
        %dma_start3A_39 = tpu.memref_squeeze %dma_start3A_38 : memref<1x40xi32, #tpu.memory_space<vmem>> -> memref<40xi32, #tpu.memory_space<vmem>>
        %dma_start3A_40 = arith.constant 0 : i32
        %dma_start3A_41 = arith.constant 0 : i32
        %dma_start3A_42 = tpu.memref_slice %arg18[%dma_start3A_40, %dma_start3A_41] : memref<10240x16xf32, #tpu.memory_space<vmem_shared>> -> memref<10240x16xf32, #tpu.memory_space<vmem_shared>>
        tpu.enqueue_indirect_dma source(%arg23 : memref<40x16xf32, #tpu.memory_space<vmem>>) target(%dma_start3A_42 : memref<10240x16xf32, #tpu.memory_space<vmem_shared>>) offsets(%dma_start3A_39 : memref<40xi32, #tpu.memory_space<vmem>>) semaphore(%run_scoped3A : memref<!tpu.dma_semaphore, #tpu.memory_space<semaphore_mem>>) {add = true}
        %dma_wait3A_43 = arith.constant 0 : i32
        %dma_wait3A_44 = tpu.memref_slice %arg21[%scan3A_26, %dma_wait3A_43] : memref<125x40xi32, #tpu.memory_space<vmem>> -> memref<1x40xi32, #tpu.memory_space<vmem>>
        %dma_wait3A_45 = tpu.memref_squeeze %dma_wait3A_44 : memref<1x40xi32, #tpu.memory_space<vmem>> -> memref<40xi32, #tpu.memory_space<vmem>>
        %dma_wait3A_46 = arith.constant 0 : i32
        %dma_wait3A_47 = arith.constant 0 : i32
        %dma_wait3A_48 = tpu.memref_slice %arg18[%dma_wait3A_46, %dma_wait3A_47] : memref<10240x16xf32, #tpu.memory_space<vmem_shared>> -> memref<10240x16xf32, #tpu.memory_space<vmem_shared>>
        tpu.wait_indirect_dma semaphore(%run_scoped3A : memref<!tpu.dma_semaphore, #tpu.memory_space<semaphore_mem>>) src(%arg23 : memref<40x16xf32, #tpu.memory_space<vmem>>) dst(%dma_wait3A_48 : memref<10240x16xf32, #tpu.memory_space<vmem_shared>>)
        tpu.yield
      }) : () -> ()
    }
    %scan3A_7 = arith.constant 125 : i32
    %barrier3A_8 = arith.constant 0 : index
    tpu.barrier barrier_id(%barrier3A_8)
    "tpu.region"() ({
      %run_scoped3A = tpu.sem_alloc : memref<!tpu.dma_semaphore, #tpu.memory_space<semaphore_mem>>
      %dma_start3A = arith.constant 0 : i32
      %dma_start3A_26 = tpu.memref_slice %arg12[%arg0, %mul3A_2, %dma_start3A] : memref<2x10240x128xf32, #tpu.memory_space<hbm>> -> memref<1x640x128xf32, #tpu.memory_space<hbm>>
      %dma_start3A_27 = tpu.memref_squeeze %dma_start3A_26 : memref<1x640x128xf32, #tpu.memory_space<hbm>> -> memref<640x128xf32, #tpu.memory_space<hbm>>
      %dma_start3A_28 = arith.constant 0 : i32
      %dma_start3A_29 = tpu.memref_slice %arg17[%mul3A_2, %dma_start3A_28] : memref<10240x128xf32, #tpu.memory_space<vmem_shared>> -> memref<640x128xf32, #tpu.memory_space<vmem_shared>>
      tpu.enqueue_dma source(%dma_start3A_29 : memref<640x128xf32, #tpu.memory_space<vmem_shared>>) target(%dma_start3A_27 : memref<640x128xf32, #tpu.memory_space<hbm>>) target_semaphore(%run_scoped3A : memref<!tpu.dma_semaphore, #tpu.memory_space<semaphore_mem>>)
      %dma_wait3A = arith.constant 0 : i32
      %dma_wait3A_30 = tpu.memref_slice %arg12[%arg0, %mul3A_2, %dma_wait3A] : memref<2x10240x128xf32, #tpu.memory_space<hbm>> -> memref<1x640x128xf32, #tpu.memory_space<hbm>>
      %dma_wait3A_31 = tpu.memref_squeeze %dma_wait3A_30 : memref<1x640x128xf32, #tpu.memory_space<hbm>> -> memref<640x128xf32, #tpu.memory_space<hbm>>
      %dma_wait3A_32 = arith.constant 0 : i32
      %dma_wait3A_33 = tpu.memref_slice %arg17[%mul3A_2, %dma_wait3A_32] : memref<10240x128xf32, #tpu.memory_space<vmem_shared>> -> memref<640x128xf32, #tpu.memory_space<vmem_shared>>
      tpu.wait_dma2 semaphore(%run_scoped3A : memref<!tpu.dma_semaphore, #tpu.memory_space<semaphore_mem>>) src(%dma_wait3A_33 : memref<640x128xf32, #tpu.memory_space<vmem_shared>>) dst(%dma_wait3A_31 : memref<640x128xf32, #tpu.memory_space<hbm>>)
      tpu.yield
    }) : () -> ()
    "tpu.region"() ({
      %run_scoped3A = tpu.sem_alloc : memref<!tpu.dma_semaphore, #tpu.memory_space<semaphore_mem>>
      %dma_start3A = arith.constant 0 : i32
      %dma_start3A_26 = tpu.memref_slice %arg17[%mul3A_2, %dma_start3A] : memref<10240x128xf32, #tpu.memory_space<vmem_shared>> -> memref<640x128xf32, #tpu.memory_space<vmem_shared>>
      %dma_start3A_27 = arith.constant 0 : i32
      %dma_start3A_28 = tpu.memref_slice %arg9[%mul3A_2, %dma_start3A_27] : memref<10240x128xf32, #tpu.memory_space<hbm>> -> memref<640x128xf32, #tpu.memory_space<hbm>>
      tpu.enqueue_dma source(%dma_start3A_28 : memref<640x128xf32, #tpu.memory_space<hbm>>) target(%dma_start3A_26 : memref<640x128xf32, #tpu.memory_space<vmem_shared>>) target_semaphore(%run_scoped3A : memref<!tpu.dma_semaphore, #tpu.memory_space<semaphore_mem>>)
      %dma_wait3A = arith.constant 0 : i32
      %dma_wait3A_29 = tpu.memref_slice %arg17[%mul3A_2, %dma_wait3A] : memref<10240x128xf32, #tpu.memory_space<vmem_shared>> -> memref<640x128xf32, #tpu.memory_space<vmem_shared>>
      %dma_wait3A_30 = arith.constant 0 : i32
      %dma_wait3A_31 = tpu.memref_slice %arg9[%mul3A_2, %dma_wait3A_30] : memref<10240x128xf32, #tpu.memory_space<hbm>> -> memref<640x128xf32, #tpu.memory_space<hbm>>
      tpu.wait_dma2 semaphore(%run_scoped3A : memref<!tpu.dma_semaphore, #tpu.memory_space<semaphore_mem>>) src(%dma_wait3A_31 : memref<640x128xf32, #tpu.memory_space<hbm>>) dst(%dma_wait3A_29 : memref<640x128xf32, #tpu.memory_space<vmem_shared>>)
      tpu.yield
    }) : () -> ()
    %barrier3A_9 = arith.constant 0 : index
    tpu.barrier barrier_id(%barrier3A_9)
    "tpu.region"() ({
      %run_scoped3A = tpu.sem_alloc : memref<!tpu.dma_semaphore, #tpu.memory_space<semaphore_mem>>
      %dma_start3A = arith.constant 0 : i32
      %dma_start3A_26 = arith.constant 0 : i32
      %dma_start3A_27 = tpu.memref_slice %arg5[%add3A, %dma_start3A, %dma_start3A_26] : memref<32x125x40xi32, #tpu.memory_space<hbm>> -> memref<1x125x40xi32, #tpu.memory_space<hbm>>
      %dma_start3A_28 = tpu.memref_squeeze %dma_start3A_27 : memref<1x125x40xi32, #tpu.memory_space<hbm>> -> memref<125x40xi32, #tpu.memory_space<hbm>>
      %dma_start3A_29 = arith.constant 0 : i32
      %dma_start3A_30 = arith.constant 0 : i32
      %dma_start3A_31 = tpu.memref_slice %arg5[%add3A, %dma_start3A_29, %dma_start3A_30] : memref<32x125x40xi32, #tpu.memory_space<hbm>> -> memref<1x125x40xi32, #tpu.memory_space<hbm>>
      %dma_start3A_32 = tpu.memref_squeeze %dma_start3A_31 : memref<1x125x40xi32, #tpu.memory_space<hbm>> -> memref<125x40xi32, #tpu.memory_space<hbm>>
      tpu.enqueue_dma source(%dma_start3A_32 : memref<125x40xi32, #tpu.memory_space<hbm>>) target(%arg20 : memref<125x40xi32, #tpu.memory_space<vmem>>) target_semaphore(%run_scoped3A : memref<!tpu.dma_semaphore, #tpu.memory_space<semaphore_mem>>)
      %dma_wait3A = arith.constant 0 : i32
      %dma_wait3A_33 = arith.constant 0 : i32
      %dma_wait3A_34 = tpu.memref_slice %arg5[%add3A, %dma_wait3A, %dma_wait3A_33] : memref<32x125x40xi32, #tpu.memory_space<hbm>> -> memref<1x125x40xi32, #tpu.memory_space<hbm>>
      %dma_wait3A_35 = tpu.memref_squeeze %dma_wait3A_34 : memref<1x125x40xi32, #tpu.memory_space<hbm>> -> memref<125x40xi32, #tpu.memory_space<hbm>>
      %dma_wait3A_36 = arith.constant 0 : i32
      %dma_wait3A_37 = arith.constant 0 : i32
      %dma_wait3A_38 = tpu.memref_slice %arg5[%add3A, %dma_wait3A_36, %dma_wait3A_37] : memref<32x125x40xi32, #tpu.memory_space<hbm>> -> memref<1x125x40xi32, #tpu.memory_space<hbm>>
      %dma_wait3A_39 = tpu.memref_squeeze %dma_wait3A_38 : memref<1x125x40xi32, #tpu.memory_space<hbm>> -> memref<125x40xi32, #tpu.memory_space<hbm>>
      tpu.wait_dma2 semaphore(%run_scoped3A : memref<!tpu.dma_semaphore, #tpu.memory_space<semaphore_mem>>) src(%dma_wait3A_39 : memref<125x40xi32, #tpu.memory_space<hbm>>) dst(%arg20 : memref<125x40xi32, #tpu.memory_space<vmem>>)
      tpu.yield
    }) : () -> ()
    "tpu.region"() ({
      %run_scoped3A = tpu.sem_alloc : memref<!tpu.dma_semaphore, #tpu.memory_space<semaphore_mem>>
      %dma_start3A = arith.constant 0 : i32
      %dma_start3A_26 = arith.constant 0 : i32
      %dma_start3A_27 = tpu.memref_slice %arg7[%add3A, %dma_start3A, %dma_start3A_26] : memref<32x125x40xi32, #tpu.memory_space<hbm>> -> memref<1x125x40xi32, #tpu.memory_space<hbm>>
      %dma_start3A_28 = tpu.memref_squeeze %dma_start3A_27 : memref<1x125x40xi32, #tpu.memory_space<hbm>> -> memref<125x40xi32, #tpu.memory_space<hbm>>
      %dma_start3A_29 = arith.constant 0 : i32
      %dma_start3A_30 = arith.constant 0 : i32
      %dma_start3A_31 = tpu.memref_slice %arg7[%add3A, %dma_start3A_29, %dma_start3A_30] : memref<32x125x40xi32, #tpu.memory_space<hbm>> -> memref<1x125x40xi32, #tpu.memory_space<hbm>>
      %dma_start3A_32 = tpu.memref_squeeze %dma_start3A_31 : memref<1x125x40xi32, #tpu.memory_space<hbm>> -> memref<125x40xi32, #tpu.memory_space<hbm>>
      tpu.enqueue_dma source(%dma_start3A_32 : memref<125x40xi32, #tpu.memory_space<hbm>>) target(%arg21 : memref<125x40xi32, #tpu.memory_space<vmem>>) target_semaphore(%run_scoped3A : memref<!tpu.dma_semaphore, #tpu.memory_space<semaphore_mem>>)
      %dma_wait3A = arith.constant 0 : i32
      %dma_wait3A_33 = arith.constant 0 : i32
      %dma_wait3A_34 = tpu.memref_slice %arg7[%add3A, %dma_wait3A, %dma_wait3A_33] : memref<32x125x40xi32, #tpu.memory_space<hbm>> -> memref<1x125x40xi32, #tpu.memory_space<hbm>>
      %dma_wait3A_35 = tpu.memref_squeeze %dma_wait3A_34 : memref<1x125x40xi32, #tpu.memory_space<hbm>> -> memref<125x40xi32, #tpu.memory_space<hbm>>
      %dma_wait3A_36 = arith.constant 0 : i32
      %dma_wait3A_37 = arith.constant 0 : i32
      %dma_wait3A_38 = tpu.memref_slice %arg7[%add3A, %dma_wait3A_36, %dma_wait3A_37] : memref<32x125x40xi32, #tpu.memory_space<hbm>> -> memref<1x125x40xi32, #tpu.memory_space<hbm>>
      %dma_wait3A_39 = tpu.memref_squeeze %dma_wait3A_38 : memref<1x125x40xi32, #tpu.memory_space<hbm>> -> memref<125x40xi32, #tpu.memory_space<hbm>>
      tpu.wait_dma2 semaphore(%run_scoped3A : memref<!tpu.dma_semaphore, #tpu.memory_space<semaphore_mem>>) src(%dma_wait3A_39 : memref<125x40xi32, #tpu.memory_space<hbm>>) dst(%arg21 : memref<125x40xi32, #tpu.memory_space<vmem>>)
      tpu.yield
    }) : () -> ()
    %scan3A_10 = arith.constant 0 : i32
    %scan3A_11 = arith.constant 0 : i32
    %scan3A_12 = arith.constant 125 : i32
    %scan3A_13 = arith.addi %scan3A_11, %scan3A_12 : i32
    %scan3A_14 = arith.constant 1 : i32
    scf.for %scan3A_26 = %scan3A_11 to %scan3A_13 step %scan3A_14  : i32 {
      %dma_start3A = arith.constant 0 : i32
      %dma_start3A_27 = tpu.memref_slice %arg20[%scan3A_26, %dma_start3A] : memref<125x40xi32, #tpu.memory_space<vmem>> -> memref<1x40xi32, #tpu.memory_space<vmem>>
      %dma_start3A_28 = tpu.memref_squeeze %dma_start3A_27 : memref<1x40xi32, #tpu.memory_space<vmem>> -> memref<40xi32, #tpu.memory_space<vmem>>
      %dma_start3A_29 = arith.constant 0 : i32
      %dma_start3A_30 = arith.constant 0 : i32
      %dma_start3A_31 = tpu.memref_slice %arg2[%dma_start3A_29, %dma_start3A_30] : memref<20000x128xf32, #tpu.memory_space<hbm>> -> memref<20000x128xf32, #tpu.memory_space<hbm>>
      tpu.enqueue_indirect_dma source(%dma_start3A_31 : memref<20000x128xf32, #tpu.memory_space<hbm>>) target(%arg22 : memref<40x128xf32, #tpu.memory_space<vmem>>) offsets(%dma_start3A_28 : memref<40xi32, #tpu.memory_space<vmem>>) semaphore(%arg24 : memref<!tpu.dma_semaphore, #tpu.memory_space<semaphore_mem>>)
      %dma_wait3A = arith.constant 0 : i32
      %dma_wait3A_32 = tpu.memref_slice %arg20[%scan3A_26, %dma_wait3A] : memref<125x40xi32, #tpu.memory_space<vmem>> -> memref<1x40xi32, #tpu.memory_space<vmem>>
      %dma_wait3A_33 = tpu.memref_squeeze %dma_wait3A_32 : memref<1x40xi32, #tpu.memory_space<vmem>> -> memref<40xi32, #tpu.memory_space<vmem>>
      %dma_wait3A_34 = arith.constant 0 : i32
      %dma_wait3A_35 = arith.constant 0 : i32
      %dma_wait3A_36 = tpu.memref_slice %arg2[%dma_wait3A_34, %dma_wait3A_35] : memref<20000x128xf32, #tpu.memory_space<hbm>> -> memref<20000x128xf32, #tpu.memory_space<hbm>>
      tpu.wait_indirect_dma semaphore(%arg24 : memref<!tpu.dma_semaphore, #tpu.memory_space<semaphore_mem>>) src(%dma_wait3A_36 : memref<20000x128xf32, #tpu.memory_space<hbm>>) dst(%arg22 : memref<40x128xf32, #tpu.memory_space<vmem>>)
      "tpu.region"() ({
        %run_scoped3A = tpu.sem_alloc : memref<!tpu.dma_semaphore, #tpu.memory_space<semaphore_mem>>
        %dma_start3A_37 = arith.constant 0 : i32
        %dma_start3A_38 = tpu.memref_slice %arg21[%scan3A_26, %dma_start3A_37] : memref<125x40xi32, #tpu.memory_space<vmem>> -> memref<1x40xi32, #tpu.memory_space<vmem>>
        %dma_start3A_39 = tpu.memref_squeeze %dma_start3A_38 : memref<1x40xi32, #tpu.memory_space<vmem>> -> memref<40xi32, #tpu.memory_space<vmem>>
        %dma_start3A_40 = arith.constant 0 : i32
        %dma_start3A_41 = arith.constant 0 : i32
        %dma_start3A_42 = tpu.memref_slice %arg17[%dma_start3A_40, %dma_start3A_41] : memref<10240x128xf32, #tpu.memory_space<vmem_shared>> -> memref<10240x128xf32, #tpu.memory_space<vmem_shared>>
        tpu.enqueue_indirect_dma source(%arg22 : memref<40x128xf32, #tpu.memory_space<vmem>>) target(%dma_start3A_42 : memref<10240x128xf32, #tpu.memory_space<vmem_shared>>) offsets(%dma_start3A_39 : memref<40xi32, #tpu.memory_space<vmem>>) semaphore(%run_scoped3A : memref<!tpu.dma_semaphore, #tpu.memory_space<semaphore_mem>>) {add = true}
        %dma_wait3A_43 = arith.constant 0 : i32
        %dma_wait3A_44 = tpu.memref_slice %arg21[%scan3A_26, %dma_wait3A_43] : memref<125x40xi32, #tpu.memory_space<vmem>> -> memref<1x40xi32, #tpu.memory_space<vmem>>
        %dma_wait3A_45 = tpu.memref_squeeze %dma_wait3A_44 : memref<1x40xi32, #tpu.memory_space<vmem>> -> memref<40xi32, #tpu.memory_space<vmem>>
        %dma_wait3A_46 = arith.constant 0 : i32
        %dma_wait3A_47 = arith.constant 0 : i32
        %dma_wait3A_48 = tpu.memref_slice %arg17[%dma_wait3A_46, %dma_wait3A_47] : memref<10240x128xf32, #tpu.memory_space<vmem_shared>> -> memref<10240x128xf32, #tpu.memory_space<vmem_shared>>
        tpu.wait_indirect_dma semaphore(%run_scoped3A : memref<!tpu.dma_semaphore, #tpu.memory_space<semaphore_mem>>) src(%arg22 : memref<40x128xf32, #tpu.memory_space<vmem>>) dst(%dma_wait3A_48 : memref<10240x128xf32, #tpu.memory_space<vmem_shared>>)
        tpu.yield
      }) : () -> ()
    }
    %scan3A_15 = arith.constant 125 : i32
    %barrier3A_16 = arith.constant 0 : index
    tpu.barrier barrier_id(%barrier3A_16)
    "tpu.region"() ({
      %run_scoped3A = tpu.sem_alloc : memref<!tpu.dma_semaphore, #tpu.memory_space<semaphore_mem>>
      %dma_start3A = arith.constant 0 : i32
      %dma_start3A_26 = tpu.memref_slice %arg13[%arg0, %mul3A_2, %dma_start3A] : memref<2x10240x128xf32, #tpu.memory_space<hbm>> -> memref<1x640x128xf32, #tpu.memory_space<hbm>>
      %dma_start3A_27 = tpu.memref_squeeze %dma_start3A_26 : memref<1x640x128xf32, #tpu.memory_space<hbm>> -> memref<640x128xf32, #tpu.memory_space<hbm>>
      %dma_start3A_28 = arith.constant 0 : i32
      %dma_start3A_29 = tpu.memref_slice %arg17[%mul3A_2, %dma_start3A_28] : memref<10240x128xf32, #tpu.memory_space<vmem_shared>> -> memref<640x128xf32, #tpu.memory_space<vmem_shared>>
      tpu.enqueue_dma source(%dma_start3A_29 : memref<640x128xf32, #tpu.memory_space<vmem_shared>>) target(%dma_start3A_27 : memref<640x128xf32, #tpu.memory_space<hbm>>) target_semaphore(%run_scoped3A : memref<!tpu.dma_semaphore, #tpu.memory_space<semaphore_mem>>)
      %dma_wait3A = arith.constant 0 : i32
      %dma_wait3A_30 = tpu.memref_slice %arg13[%arg0, %mul3A_2, %dma_wait3A] : memref<2x10240x128xf32, #tpu.memory_space<hbm>> -> memref<1x640x128xf32, #tpu.memory_space<hbm>>
      %dma_wait3A_31 = tpu.memref_squeeze %dma_wait3A_30 : memref<1x640x128xf32, #tpu.memory_space<hbm>> -> memref<640x128xf32, #tpu.memory_space<hbm>>
      %dma_wait3A_32 = arith.constant 0 : i32
      %dma_wait3A_33 = tpu.memref_slice %arg17[%mul3A_2, %dma_wait3A_32] : memref<10240x128xf32, #tpu.memory_space<vmem_shared>> -> memref<640x128xf32, #tpu.memory_space<vmem_shared>>
      tpu.wait_dma2 semaphore(%run_scoped3A : memref<!tpu.dma_semaphore, #tpu.memory_space<semaphore_mem>>) src(%dma_wait3A_33 : memref<640x128xf32, #tpu.memory_space<vmem_shared>>) dst(%dma_wait3A_31 : memref<640x128xf32, #tpu.memory_space<hbm>>)
      tpu.yield
    }) : () -> ()
    "tpu.region"() ({
      %run_scoped3A = tpu.sem_alloc : memref<!tpu.dma_semaphore, #tpu.memory_space<semaphore_mem>>
      %dma_start3A = arith.constant 0 : i32
      %dma_start3A_26 = tpu.memref_slice %arg17[%mul3A_2, %dma_start3A] : memref<10240x128xf32, #tpu.memory_space<vmem_shared>> -> memref<640x128xf32, #tpu.memory_space<vmem_shared>>
      %dma_start3A_27 = arith.constant 0 : i32
      %dma_start3A_28 = tpu.memref_slice %arg9[%mul3A_2, %dma_start3A_27] : memref<10240x128xf32, #tpu.memory_space<hbm>> -> memref<640x128xf32, #tpu.memory_space<hbm>>
      tpu.enqueue_dma source(%dma_start3A_28 : memref<640x128xf32, #tpu.memory_space<hbm>>) target(%dma_start3A_26 : memref<640x128xf32, #tpu.memory_space<vmem_shared>>) target_semaphore(%run_scoped3A : memref<!tpu.dma_semaphore, #tpu.memory_space<semaphore_mem>>)
      %dma_wait3A = arith.constant 0 : i32
      %dma_wait3A_29 = tpu.memref_slice %arg17[%mul3A_2, %dma_wait3A] : memref<10240x128xf32, #tpu.memory_space<vmem_shared>> -> memref<640x128xf32, #tpu.memory_space<vmem_shared>>
      %dma_wait3A_30 = arith.constant 0 : i32
      %dma_wait3A_31 = tpu.memref_slice %arg9[%mul3A_2, %dma_wait3A_30] : memref<10240x128xf32, #tpu.memory_space<hbm>> -> memref<640x128xf32, #tpu.memory_space<hbm>>
      tpu.wait_dma2 semaphore(%run_scoped3A : memref<!tpu.dma_semaphore, #tpu.memory_space<semaphore_mem>>) src(%dma_wait3A_31 : memref<640x128xf32, #tpu.memory_space<hbm>>) dst(%dma_wait3A_29 : memref<640x128xf32, #tpu.memory_space<vmem_shared>>)
      tpu.yield
    }) : () -> ()
    %barrier3A_17 = arith.constant 0 : index
    tpu.barrier barrier_id(%barrier3A_17)
    "tpu.region"() ({
      %run_scoped3A = tpu.sem_alloc : memref<!tpu.dma_semaphore, #tpu.memory_space<semaphore_mem>>
      %dma_start3A = arith.constant 0 : i32
      %dma_start3A_26 = arith.constant 0 : i32
      %dma_start3A_27 = tpu.memref_slice %arg6[%add3A, %dma_start3A, %dma_start3A_26] : memref<32x125x40xi32, #tpu.memory_space<hbm>> -> memref<1x125x40xi32, #tpu.memory_space<hbm>>
      %dma_start3A_28 = tpu.memref_squeeze %dma_start3A_27 : memref<1x125x40xi32, #tpu.memory_space<hbm>> -> memref<125x40xi32, #tpu.memory_space<hbm>>
      %dma_start3A_29 = arith.constant 0 : i32
      %dma_start3A_30 = arith.constant 0 : i32
      %dma_start3A_31 = tpu.memref_slice %arg6[%add3A, %dma_start3A_29, %dma_start3A_30] : memref<32x125x40xi32, #tpu.memory_space<hbm>> -> memref<1x125x40xi32, #tpu.memory_space<hbm>>
      %dma_start3A_32 = tpu.memref_squeeze %dma_start3A_31 : memref<1x125x40xi32, #tpu.memory_space<hbm>> -> memref<125x40xi32, #tpu.memory_space<hbm>>
      tpu.enqueue_dma source(%dma_start3A_32 : memref<125x40xi32, #tpu.memory_space<hbm>>) target(%arg20 : memref<125x40xi32, #tpu.memory_space<vmem>>) target_semaphore(%run_scoped3A : memref<!tpu.dma_semaphore, #tpu.memory_space<semaphore_mem>>)
      %dma_wait3A = arith.constant 0 : i32
      %dma_wait3A_33 = arith.constant 0 : i32
      %dma_wait3A_34 = tpu.memref_slice %arg6[%add3A, %dma_wait3A, %dma_wait3A_33] : memref<32x125x40xi32, #tpu.memory_space<hbm>> -> memref<1x125x40xi32, #tpu.memory_space<hbm>>
      %dma_wait3A_35 = tpu.memref_squeeze %dma_wait3A_34 : memref<1x125x40xi32, #tpu.memory_space<hbm>> -> memref<125x40xi32, #tpu.memory_space<hbm>>
      %dma_wait3A_36 = arith.constant 0 : i32
      %dma_wait3A_37 = arith.constant 0 : i32
      %dma_wait3A_38 = tpu.memref_slice %arg6[%add3A, %dma_wait3A_36, %dma_wait3A_37] : memref<32x125x40xi32, #tpu.memory_space<hbm>> -> memref<1x125x40xi32, #tpu.memory_space<hbm>>
      %dma_wait3A_39 = tpu.memref_squeeze %dma_wait3A_38 : memref<1x125x40xi32, #tpu.memory_space<hbm>> -> memref<125x40xi32, #tpu.memory_space<hbm>>
      tpu.wait_dma2 semaphore(%run_scoped3A : memref<!tpu.dma_semaphore, #tpu.memory_space<semaphore_mem>>) src(%dma_wait3A_39 : memref<125x40xi32, #tpu.memory_space<hbm>>) dst(%arg20 : memref<125x40xi32, #tpu.memory_space<vmem>>)
      tpu.yield
    }) : () -> ()
    "tpu.region"() ({
      %run_scoped3A = tpu.sem_alloc : memref<!tpu.dma_semaphore, #tpu.memory_space<semaphore_mem>>
      %dma_start3A = arith.constant 0 : i32
      %dma_start3A_26 = arith.constant 0 : i32
      %dma_start3A_27 = tpu.memref_slice %arg8[%add3A, %dma_start3A, %dma_start3A_26] : memref<32x125x40xi32, #tpu.memory_space<hbm>> -> memref<1x125x40xi32, #tpu.memory_space<hbm>>
      %dma_start3A_28 = tpu.memref_squeeze %dma_start3A_27 : memref<1x125x40xi32, #tpu.memory_space<hbm>> -> memref<125x40xi32, #tpu.memory_space<hbm>>
      %dma_start3A_29 = arith.constant 0 : i32
      %dma_start3A_30 = arith.constant 0 : i32
      %dma_start3A_31 = tpu.memref_slice %arg8[%add3A, %dma_start3A_29, %dma_start3A_30] : memref<32x125x40xi32, #tpu.memory_space<hbm>> -> memref<1x125x40xi32, #tpu.memory_space<hbm>>
      %dma_start3A_32 = tpu.memref_squeeze %dma_start3A_31 : memref<1x125x40xi32, #tpu.memory_space<hbm>> -> memref<125x40xi32, #tpu.memory_space<hbm>>
      tpu.enqueue_dma source(%dma_start3A_32 : memref<125x40xi32, #tpu.memory_space<hbm>>) target(%arg21 : memref<125x40xi32, #tpu.memory_space<vmem>>) target_semaphore(%run_scoped3A : memref<!tpu.dma_semaphore, #tpu.memory_space<semaphore_mem>>)
      %dma_wait3A = arith.constant 0 : i32
      %dma_wait3A_33 = arith.constant 0 : i32
      %dma_wait3A_34 = tpu.memref_slice %arg8[%add3A, %dma_wait3A, %dma_wait3A_33] : memref<32x125x40xi32, #tpu.memory_space<hbm>> -> memref<1x125x40xi32, #tpu.memory_space<hbm>>
      %dma_wait3A_35 = tpu.memref_squeeze %dma_wait3A_34 : memref<1x125x40xi32, #tpu.memory_space<hbm>> -> memref<125x40xi32, #tpu.memory_space<hbm>>
      %dma_wait3A_36 = arith.constant 0 : i32
      %dma_wait3A_37 = arith.constant 0 : i32
      %dma_wait3A_38 = tpu.memref_slice %arg8[%add3A, %dma_wait3A_36, %dma_wait3A_37] : memref<32x125x40xi32, #tpu.memory_space<hbm>> -> memref<1x125x40xi32, #tpu.memory_space<hbm>>
      %dma_wait3A_39 = tpu.memref_squeeze %dma_wait3A_38 : memref<1x125x40xi32, #tpu.memory_space<hbm>> -> memref<125x40xi32, #tpu.memory_space<hbm>>
      tpu.wait_dma2 semaphore(%run_scoped3A : memref<!tpu.dma_semaphore, #tpu.memory_space<semaphore_mem>>) src(%dma_wait3A_39 : memref<125x40xi32, #tpu.memory_space<hbm>>) dst(%arg21 : memref<125x40xi32, #tpu.memory_space<vmem>>)
      tpu.yield
    }) : () -> ()
    %scan3A_18 = arith.constant 0 : i32
    %scan3A_19 = arith.constant 0 : i32
    %scan3A_20 = arith.constant 125 : i32
    %scan3A_21 = arith.addi %scan3A_19, %scan3A_20 : i32
    %scan3A_22 = arith.constant 1 : i32
    scf.for %scan3A_26 = %scan3A_19 to %scan3A_21 step %scan3A_22  : i32 {
      %dma_start3A = arith.constant 0 : i32
      %dma_start3A_27 = tpu.memref_slice %arg20[%scan3A_26, %dma_start3A] : memref<125x40xi32, #tpu.memory_space<vmem>> -> memref<1x40xi32, #tpu.memory_space<vmem>>
      %dma_start3A_28 = tpu.memref_squeeze %dma_start3A_27 : memref<1x40xi32, #tpu.memory_space<vmem>> -> memref<40xi32, #tpu.memory_space<vmem>>
      %dma_start3A_29 = arith.constant 0 : i32
      %dma_start3A_30 = arith.constant 0 : i32
      %dma_start3A_31 = tpu.memref_slice %arg3[%dma_start3A_29, %dma_start3A_30] : memref<10000x128xf32, #tpu.memory_space<hbm>> -> memref<10000x128xf32, #tpu.memory_space<hbm>>
      tpu.enqueue_indirect_dma source(%dma_start3A_31 : memref<10000x128xf32, #tpu.memory_space<hbm>>) target(%arg22 : memref<40x128xf32, #tpu.memory_space<vmem>>) offsets(%dma_start3A_28 : memref<40xi32, #tpu.memory_space<vmem>>) semaphore(%arg24 : memref<!tpu.dma_semaphore, #tpu.memory_space<semaphore_mem>>)
      %dma_wait3A = arith.constant 0 : i32
      %dma_wait3A_32 = tpu.memref_slice %arg20[%scan3A_26, %dma_wait3A] : memref<125x40xi32, #tpu.memory_space<vmem>> -> memref<1x40xi32, #tpu.memory_space<vmem>>
      %dma_wait3A_33 = tpu.memref_squeeze %dma_wait3A_32 : memref<1x40xi32, #tpu.memory_space<vmem>> -> memref<40xi32, #tpu.memory_space<vmem>>
      %dma_wait3A_34 = arith.constant 0 : i32
      %dma_wait3A_35 = arith.constant 0 : i32
      %dma_wait3A_36 = tpu.memref_slice %arg3[%dma_wait3A_34, %dma_wait3A_35] : memref<10000x128xf32, #tpu.memory_space<hbm>> -> memref<10000x128xf32, #tpu.memory_space<hbm>>
      tpu.wait_indirect_dma semaphore(%arg24 : memref<!tpu.dma_semaphore, #tpu.memory_space<semaphore_mem>>) src(%dma_wait3A_36 : memref<10000x128xf32, #tpu.memory_space<hbm>>) dst(%arg22 : memref<40x128xf32, #tpu.memory_space<vmem>>)
      "tpu.region"() ({
        %run_scoped3A = tpu.sem_alloc : memref<!tpu.dma_semaphore, #tpu.memory_space<semaphore_mem>>
        %dma_start3A_37 = arith.constant 0 : i32
        %dma_start3A_38 = tpu.memref_slice %arg21[%scan3A_26, %dma_start3A_37] : memref<125x40xi32, #tpu.memory_space<vmem>> -> memref<1x40xi32, #tpu.memory_space<vmem>>
        %dma_start3A_39 = tpu.memref_squeeze %dma_start3A_38 : memref<1x40xi32, #tpu.memory_space<vmem>> -> memref<40xi32, #tpu.memory_space<vmem>>
        %dma_start3A_40 = arith.constant 0 : i32
        %dma_start3A_41 = arith.constant 0 : i32
        %dma_start3A_42 = tpu.memref_slice %arg17[%dma_start3A_40, %dma_start3A_41] : memref<10240x128xf32, #tpu.memory_space<vmem_shared>> -> memref<10240x128xf32, #tpu.memory_space<vmem_shared>>
        tpu.enqueue_indirect_dma source(%arg22 : memref<40x128xf32, #tpu.memory_space<vmem>>) target(%dma_start3A_42 : memref<10240x128xf32, #tpu.memory_space<vmem_shared>>) offsets(%dma_start3A_39 : memref<40xi32, #tpu.memory_space<vmem>>) semaphore(%run_scoped3A : memref<!tpu.dma_semaphore, #tpu.memory_space<semaphore_mem>>) {add = true}
        %dma_wait3A_43 = arith.constant 0 : i32
        %dma_wait3A_44 = tpu.memref_slice %arg21[%scan3A_26, %dma_wait3A_43] : memref<125x40xi32, #tpu.memory_space<vmem>> -> memref<1x40xi32, #tpu.memory_space<vmem>>
        %dma_wait3A_45 = tpu.memref_squeeze %dma_wait3A_44 : memref<1x40xi32, #tpu.memory_space<vmem>> -> memref<40xi32, #tpu.memory_space<vmem>>
        %dma_wait3A_46 = arith.constant 0 : i32
        %dma_wait3A_47 = arith.constant 0 : i32
        %dma_wait3A_48 = tpu.memref_slice %arg17[%dma_wait3A_46, %dma_wait3A_47] : memref<10240x128xf32, #tpu.memory_space<vmem_shared>> -> memref<10240x128xf32, #tpu.memory_space<vmem_shared>>
        tpu.wait_indirect_dma semaphore(%run_scoped3A : memref<!tpu.dma_semaphore, #tpu.memory_space<semaphore_mem>>) src(%arg22 : memref<40x128xf32, #tpu.memory_space<vmem>>) dst(%dma_wait3A_48 : memref<10240x128xf32, #tpu.memory_space<vmem_shared>>)
        tpu.yield
      }) : () -> ()
      "tpu.region"() ({
        %run_scoped3A = tpu.sem_alloc : memref<!tpu.dma_semaphore, #tpu.memory_space<semaphore_mem>>
        %dma_start3A_37 = arith.constant 0 : i32
        %dma_start3A_38 = tpu.memref_slice %arg21[%scan3A_26, %dma_start3A_37] : memref<125x40xi32, #tpu.memory_space<vmem>> -> memref<1x40xi32, #tpu.memory_space<vmem>>
        %dma_start3A_39 = tpu.memref_squeeze %dma_start3A_38 : memref<1x40xi32, #tpu.memory_space<vmem>> -> memref<40xi32, #tpu.memory_space<vmem>>
        %dma_start3A_40 = arith.constant 0 : i32
        %dma_start3A_41 = arith.constant 0 : i32
        %dma_start3A_42 = tpu.memref_slice %arg19[%dma_start3A_40, %dma_start3A_41] : memref<10240x16xf32, #tpu.memory_space<vmem_shared>> -> memref<10240x16xf32, #tpu.memory_space<vmem_shared>>
        tpu.enqueue_indirect_dma source(%arg23 : memref<40x16xf32, #tpu.memory_space<vmem>>) target(%dma_start3A_42 : memref<10240x16xf32, #tpu.memory_space<vmem_shared>>) offsets(%dma_start3A_39 : memref<40xi32, #tpu.memory_space<vmem>>) semaphore(%run_scoped3A : memref<!tpu.dma_semaphore, #tpu.memory_space<semaphore_mem>>) {add = true}
        %dma_wait3A_43 = arith.constant 0 : i32
        %dma_wait3A_44 = tpu.memref_slice %arg21[%scan3A_26, %dma_wait3A_43] : memref<125x40xi32, #tpu.memory_space<vmem>> -> memref<1x40xi32, #tpu.memory_space<vmem>>
        %dma_wait3A_45 = tpu.memref_squeeze %dma_wait3A_44 : memref<1x40xi32, #tpu.memory_space<vmem>> -> memref<40xi32, #tpu.memory_space<vmem>>
        %dma_wait3A_46 = arith.constant 0 : i32
        %dma_wait3A_47 = arith.constant 0 : i32
        %dma_wait3A_48 = tpu.memref_slice %arg19[%dma_wait3A_46, %dma_wait3A_47] : memref<10240x16xf32, #tpu.memory_space<vmem_shared>> -> memref<10240x16xf32, #tpu.memory_space<vmem_shared>>
        tpu.wait_indirect_dma semaphore(%run_scoped3A : memref<!tpu.dma_semaphore, #tpu.memory_space<semaphore_mem>>) src(%arg23 : memref<40x16xf32, #tpu.memory_space<vmem>>) dst(%dma_wait3A_48 : memref<10240x16xf32, #tpu.memory_space<vmem_shared>>)
        tpu.yield
      }) : () -> ()
    }
    %scan3A_23 = arith.constant 125 : i32
    %barrier3A_24 = arith.constant 0 : index
    tpu.barrier barrier_id(%barrier3A_24)
    "tpu.region"() ({
      %run_scoped3A = tpu.sem_alloc : memref<!tpu.dma_semaphore, #tpu.memory_space<semaphore_mem>>
      %dma_start3A = arith.constant 0 : i32
      %dma_start3A_26 = tpu.memref_slice %arg14[%arg0, %mul3A_2, %dma_start3A] : memref<2x10240x128xf32, #tpu.memory_space<hbm>> -> memref<1x640x128xf32, #tpu.memory_space<hbm>>
      %dma_start3A_27 = tpu.memref_squeeze %dma_start3A_26 : memref<1x640x128xf32, #tpu.memory_space<hbm>> -> memref<640x128xf32, #tpu.memory_space<hbm>>
      %dma_start3A_28 = arith.constant 0 : i32
      %dma_start3A_29 = tpu.memref_slice %arg17[%mul3A_2, %dma_start3A_28] : memref<10240x128xf32, #tpu.memory_space<vmem_shared>> -> memref<640x128xf32, #tpu.memory_space<vmem_shared>>
      tpu.enqueue_dma source(%dma_start3A_29 : memref<640x128xf32, #tpu.memory_space<vmem_shared>>) target(%dma_start3A_27 : memref<640x128xf32, #tpu.memory_space<hbm>>) target_semaphore(%run_scoped3A : memref<!tpu.dma_semaphore, #tpu.memory_space<semaphore_mem>>)
      %dma_wait3A = arith.constant 0 : i32
      %dma_wait3A_30 = tpu.memref_slice %arg14[%arg0, %mul3A_2, %dma_wait3A] : memref<2x10240x128xf32, #tpu.memory_space<hbm>> -> memref<1x640x128xf32, #tpu.memory_space<hbm>>
      %dma_wait3A_31 = tpu.memref_squeeze %dma_wait3A_30 : memref<1x640x128xf32, #tpu.memory_space<hbm>> -> memref<640x128xf32, #tpu.memory_space<hbm>>
      %dma_wait3A_32 = arith.constant 0 : i32
      %dma_wait3A_33 = tpu.memref_slice %arg17[%mul3A_2, %dma_wait3A_32] : memref<10240x128xf32, #tpu.memory_space<vmem_shared>> -> memref<640x128xf32, #tpu.memory_space<vmem_shared>>
      tpu.wait_dma2 semaphore(%run_scoped3A : memref<!tpu.dma_semaphore, #tpu.memory_space<semaphore_mem>>) src(%dma_wait3A_33 : memref<640x128xf32, #tpu.memory_space<vmem_shared>>) dst(%dma_wait3A_31 : memref<640x128xf32, #tpu.memory_space<hbm>>)
      tpu.yield
    }) : () -> ()
    "tpu.region"() ({
      %run_scoped3A = tpu.sem_alloc : memref<!tpu.dma_semaphore, #tpu.memory_space<semaphore_mem>>
      %dma_start3A = arith.constant 0 : i32
      %dma_start3A_26 = tpu.memref_slice %arg17[%mul3A_2, %dma_start3A] : memref<10240x128xf32, #tpu.memory_space<vmem_shared>> -> memref<640x128xf32, #tpu.memory_space<vmem_shared>>
      %dma_start3A_27 = arith.constant 0 : i32
      %dma_start3A_28 = tpu.memref_slice %arg9[%mul3A_2, %dma_start3A_27] : memref<10240x128xf32, #tpu.memory_space<hbm>> -> memref<640x128xf32, #tpu.memory_space<hbm>>
      tpu.enqueue_dma source(%dma_start3A_28 : memref<640x128xf32, #tpu.memory_space<hbm>>) target(%dma_start3A_26 : memref<640x128xf32, #tpu.memory_space<vmem_shared>>) target_semaphore(%run_scoped3A : memref<!tpu.dma_semaphore, #tpu.memory_space<semaphore_mem>>)
      %dma_wait3A = arith.constant 0 : i32
      %dma_wait3A_29 = tpu.memref_slice %arg17[%mul3A_2, %dma_wait3A] : memref<10240x128xf32, #tpu.memory_space<vmem_shared>> -> memref<640x128xf32, #tpu.memory_space<vmem_shared>>
      %dma_wait3A_30 = arith.constant 0 : i32
      %dma_wait3A_31 = tpu.memref_slice %arg9[%mul3A_2, %dma_wait3A_30] : memref<10240x128xf32, #tpu.memory_space<hbm>> -> memref<640x128xf32, #tpu.memory_space<hbm>>
      tpu.wait_dma2 semaphore(%run_scoped3A : memref<!tpu.dma_semaphore, #tpu.memory_space<semaphore_mem>>) src(%dma_wait3A_31 : memref<640x128xf32, #tpu.memory_space<hbm>>) dst(%dma_wait3A_29 : memref<640x128xf32, #tpu.memory_space<vmem_shared>>)
      tpu.yield
    }) : () -> ()
    %barrier3A_25 = arith.constant 0 : index
    tpu.barrier barrier_id(%barrier3A_25)
    "tpu.region"() ({
      %run_scoped3A = tpu.sem_alloc : memref<!tpu.dma_semaphore, #tpu.memory_space<semaphore_mem>>
      %dma_start3A = arith.constant 0 : i32
      %dma_start3A_26 = tpu.memref_slice %arg15[%arg0, %mul3A_2, %dma_start3A] : memref<2x10240x16xf32, #tpu.memory_space<hbm>> -> memref<1x640x16xf32, #tpu.memory_space<hbm>>
      %dma_start3A_27 = tpu.memref_squeeze %dma_start3A_26 : memref<1x640x16xf32, #tpu.memory_space<hbm>> -> memref<640x16xf32, #tpu.memory_space<hbm>>
      %dma_start3A_28 = arith.constant 0 : i32
      %dma_start3A_29 = tpu.memref_slice %arg18[%mul3A_2, %dma_start3A_28] : memref<10240x16xf32, #tpu.memory_space<vmem_shared>> -> memref<640x16xf32, #tpu.memory_space<vmem_shared>>
      tpu.enqueue_dma source(%dma_start3A_29 : memref<640x16xf32, #tpu.memory_space<vmem_shared>>) target(%dma_start3A_27 : memref<640x16xf32, #tpu.memory_space<hbm>>) target_semaphore(%run_scoped3A : memref<!tpu.dma_semaphore, #tpu.memory_space<semaphore_mem>>)
      %dma_wait3A = arith.constant 0 : i32
      %dma_wait3A_30 = tpu.memref_slice %arg15[%arg0, %mul3A_2, %dma_wait3A] : memref<2x10240x16xf32, #tpu.memory_space<hbm>> -> memref<1x640x16xf32, #tpu.memory_space<hbm>>
      %dma_wait3A_31 = tpu.memref_squeeze %dma_wait3A_30 : memref<1x640x16xf32, #tpu.memory_space<hbm>> -> memref<640x16xf32, #tpu.memory_space<hbm>>
      %dma_wait3A_32 = arith.constant 0 : i32
      %dma_wait3A_33 = tpu.memref_slice %arg18[%mul3A_2, %dma_wait3A_32] : memref<10240x16xf32, #tpu.memory_space<vmem_shared>> -> memref<640x16xf32, #tpu.memory_space<vmem_shared>>
      tpu.wait_dma2 semaphore(%run_scoped3A : memref<!tpu.dma_semaphore, #tpu.memory_space<semaphore_mem>>) src(%dma_wait3A_33 : memref<640x16xf32, #tpu.memory_space<vmem_shared>>) dst(%dma_wait3A_31 : memref<640x16xf32, #tpu.memory_space<hbm>>)
      tpu.yield
    }) : () -> ()
    "tpu.region"() ({
      %run_scoped3A = tpu.sem_alloc : memref<!tpu.dma_semaphore, #tpu.memory_space<semaphore_mem>>
      %dma_start3A = arith.constant 0 : i32
      %dma_start3A_26 = tpu.memref_slice %arg16[%arg0, %mul3A_2, %dma_start3A] : memref<2x10240x16xf32, #tpu.memory_space<hbm>> -> memref<1x640x16xf32, #tpu.memory_space<hbm>>
      %dma_start3A_27 = tpu.memref_squeeze %dma_start3A_26 : memref<1x640x16xf32, #tpu.memory_space<hbm>> -> memref<640x16xf32, #tpu.memory_space<hbm>>
      %dma_start3A_28 = arith.constant 0 : i32
      %dma_start3A_29 = tpu.memref_slice %arg19[%mul3A_2, %dma_start3A_28] : memref<10240x16xf32, #tpu.memory_space<vmem_shared>> -> memref<640x16xf32, #tpu.memory_space<vmem_shared>>
      tpu.enqueue_dma source(%dma_start3A_29 : memref<640x16xf32, #tpu.memory_space<vmem_shared>>) target(%dma_start3A_27 : memref<640x16xf32, #tpu.memory_space<hbm>>) target_semaphore(%run_scoped3A : memref<!tpu.dma_semaphore, #tpu.memory_space<semaphore_mem>>)
      %dma_wait3A = arith.constant 0 : i32
      %dma_wait3A_30 = tpu.memref_slice %arg16[%arg0, %mul3A_2, %dma_wait3A] : memref<2x10240x16xf32, #tpu.memory_space<hbm>> -> memref<1x640x16xf32, #tpu.memory_space<hbm>>
      %dma_wait3A_31 = tpu.memref_squeeze %dma_wait3A_30 : memref<1x640x16xf32, #tpu.memory_space<hbm>> -> memref<640x16xf32, #tpu.memory_space<hbm>>
      %dma_wait3A_32 = arith.constant 0 : i32
      %dma_wait3A_33 = tpu.memref_slice %arg19[%mul3A_2, %dma_wait3A_32] : memref<10240x16xf32, #tpu.memory_space<vmem_shared>> -> memref<640x16xf32, #tpu.memory_space<vmem_shared>>
      tpu.wait_dma2 semaphore(%run_scoped3A : memref<!tpu.dma_semaphore, #tpu.memory_space<semaphore_mem>>) src(%dma_wait3A_33 : memref<640x16xf32, #tpu.memory_space<vmem_shared>>) dst(%dma_wait3A_31 : memref<640x16xf32, #tpu.memory_space<hbm>>)
      tpu.yield
    }) : () -> ()
    return
  }
}

module attributes {stable_mosaic.version = 14 : i64} {
  func.func @_tc_body(%arg0: i32, %arg1: memref<2x1000x128xf32, #tpu.memory_space<vmem>>, %arg2: memref<2x1000x128xf32, #tpu.memory_space<vmem>>, %arg3: memref<2x1000x128xf32, #tpu.memory_space<vmem>>, %arg4: memref<2x1000x16xf32, #tpu.memory_space<vmem>>, %arg5: memref<2x1000x16xf32, #tpu.memory_space<vmem>>, %arg6: memref<1000x256xf32, #tpu.memory_space<vmem>>, %arg7: memref<1x1x1000xi32, #tpu.memory_space<vmem>>, %arg8: memref<512x256xf32, #tpu.memory_space<vmem>>, %arg9: memref<512x128xf32, #tpu.memory_space<vmem>>, %arg10: memref<512x512xf32, #tpu.memory_space<vmem>>, %arg11: memref<512x512xf32, #tpu.memory_space<vmem>>, %arg12: memref<512x512xf32, #tpu.memory_space<vmem>>, %arg13: memref<512x512xf32, #tpu.memory_space<vmem>>, %arg14: memref<512xf32, #tpu.memory_space<vmem>>, %arg15: memref<512xf32, #tpu.memory_space<vmem>>, %arg16: memref<512x512xf32, #tpu.memory_space<vmem>>, %arg17: memref<512xf32, #tpu.memory_space<vmem>>, %arg18: memref<64x512xf32, #tpu.memory_space<vmem>>, %arg19: memref<64xf32, #tpu.memory_space<vmem>>, %arg20: memref<64x64xf32, #tpu.memory_space<vmem>>, %arg21: memref<512x256xf32, #tpu.memory_space<vmem>>, %arg22: memref<512x128xf32, #tpu.memory_space<vmem>>, %arg23: memref<512x256xf32, #tpu.memory_space<vmem>>, %arg24: memref<64x512xf32, #tpu.memory_space<vmem>>, %arg25: memref<64xf32, #tpu.memory_space<vmem>>) attributes {dimension_semantics = [#tpu.dimension_semantics<arbitrary>], iteration_bounds = array<i64: 10>, scalar_prefetch = 0 : i64, scratch_operands = 5 : i64, tpu.core_type = #tpu.core_type<tc>, window_params = [{transform_indices = @transform_0, window_bounds = array<i64: 2, 1000, 128>}, {transform_indices = @transform_1, window_bounds = array<i64: 2, 1000, 128>}, {transform_indices = @transform_2, window_bounds = array<i64: 2, 1000, 128>}, {transform_indices = @transform_3, window_bounds = array<i64: 2, 1000, 16>}, {transform_indices = @transform_4, window_bounds = array<i64: 2, 1000, 16>}, {transform_indices = @transform_5, window_bounds = array<i64: 1000, 256>}, {transform_indices = @transform_6, window_bounds = array<i64: 1, 1, 1000>}, {pipeline_mode = #tpu.pipeline_mode<synchronous>, transform_indices = @transform_7, window_bounds = array<i64: 512, 256>}, {pipeline_mode = #tpu.pipeline_mode<synchronous>, transform_indices = @transform_8, window_bounds = array<i64: 512, 128>}, {pipeline_mode = #tpu.pipeline_mode<synchronous>, transform_indices = @transform_9, window_bounds = array<i64: 512, 512>}, {pipeline_mode = #tpu.pipeline_mode<synchronous>, transform_indices = @transform_10, window_bounds = array<i64: 512, 512>}, {pipeline_mode = #tpu.pipeline_mode<synchronous>, transform_indices = @transform_11, window_bounds = array<i64: 512, 512>}, {pipeline_mode = #tpu.pipeline_mode<synchronous>, transform_indices = @transform_12, window_bounds = array<i64: 512, 512>}, {pipeline_mode = #tpu.pipeline_mode<synchronous>, transform_indices = @transform_13, window_bounds = array<i64: 512>}, {pipeline_mode = #tpu.pipeline_mode<synchronous>, transform_indices = @transform_14, window_bounds = array<i64: 512>}, {pipeline_mode = #tpu.pipeline_mode<synchronous>, transform_indices = @transform_15, window_bounds = array<i64: 512, 512>}, {pipeline_mode = #tpu.pipeline_mode<synchronous>, transform_indices = @transform_16, window_bounds = array<i64: 512>}, {pipeline_mode = #tpu.pipeline_mode<synchronous>, transform_indices = @transform_17, window_bounds = array<i64: 64, 512>}, {pipeline_mode = #tpu.pipeline_mode<synchronous>, transform_indices = @transform_18, window_bounds = array<i64: 64>}, {pipeline_mode = #tpu.pipeline_mode<synchronous>, transform_indices = @transform_19, window_bounds = array<i64: 64, 64>}]} {
    %eq3A = arith.constant 0 : i32
    %eq3A_0 = arith.cmpi eq, %arg0, %eq3A : i32
    %convert_element_type3A = arith.extui %eq3A_0 : i1 to i32
    %cond3A = arith.constant 0 : i32
    %cond3A_1 = arith.cmpi ne, %convert_element_type3A, %cond3A : i32
    scf.if %cond3A_1 {
      %get3A_135 = arith.constant 0 : index
      %get3A_136 = arith.constant 0 : index
      %get3A_137 = vector.load %arg10[%get3A_135, %get3A_136] : memref<512x512xf32, #tpu.memory_space<vmem>>, vector<512x512xf32>
      %convert_element_type3A_138 = arith.truncf %get3A_137 : vector<512x512xf32> to vector<512x512xbf16>
      %convert_element_type3A_139 = arith.extf %convert_element_type3A_138 : vector<512x512xbf16> to vector<512x512xf32>
      %get3A_140 = arith.constant 0 : index
      %get3A_141 = arith.constant 0 : index
      %get3A_142 = vector.load %arg8[%get3A_140, %get3A_141] : memref<512x256xf32, #tpu.memory_space<vmem>>, vector<512x256xf32>
      %convert_element_type3A_143 = arith.truncf %get3A_142 : vector<512x256xf32> to vector<512x256xbf16>
      %convert_element_type3A_144 = arith.extf %convert_element_type3A_143 : vector<512x256xbf16> to vector<512x256xf32>
      %dot_general3A_145 = arith.constant dense<0.000000e+00> : vector<512x256xf32>
      %dot_general3A_146 = tpu.matmul %convert_element_type3A_139, %convert_element_type3A_144, %dot_general3A_145 {dimension_numbers = #tpu.dot_dimension_numbers<[1], [0], [0], [1], [0, 0, 1, 1], [], []>, precision = #tpu.contract_precision<fp32>, transpose_lhs_hint = false} : vector<512x512xf32>, vector<512x256xf32>, vector<512x256xf32> -> vector<512x256xf32>
      %swap3A_147 = arith.constant 0 : index
      %swap3A_148 = arith.constant 0 : index
      %swap3A_149 = vector.load %arg21[%swap3A_147, %swap3A_148] : memref<512x256xf32, #tpu.memory_space<vmem>>, vector<512x256xf32>
      tpu.vector_store %arg21[%swap3A_147, %swap3A_148], %dot_general3A_146 {strides = array<i32>} : memref<512x256xf32, #tpu.memory_space<vmem>>, vector<512x256xf32>,
      %get3A_150 = arith.constant 0 : index
      %get3A_151 = arith.constant 0 : index
      %get3A_152 = vector.load %arg11[%get3A_150, %get3A_151] : memref<512x512xf32, #tpu.memory_space<vmem>>, vector<512x512xf32>
      %convert_element_type3A_153 = arith.truncf %get3A_152 : vector<512x512xf32> to vector<512x512xbf16>
      %convert_element_type3A_154 = arith.extf %convert_element_type3A_153 : vector<512x512xbf16> to vector<512x512xf32>
      %get3A_155 = arith.constant 0 : index
      %get3A_156 = arith.constant 0 : index
      %get3A_157 = vector.load %arg9[%get3A_155, %get3A_156] : memref<512x128xf32, #tpu.memory_space<vmem>>, vector<512x128xf32>
      %convert_element_type3A_158 = arith.truncf %get3A_157 : vector<512x128xf32> to vector<512x128xbf16>
      %convert_element_type3A_159 = arith.extf %convert_element_type3A_158 : vector<512x128xbf16> to vector<512x128xf32>
      %dot_general3A_160 = arith.constant dense<0.000000e+00> : vector<512x128xf32>
      %dot_general3A_161 = tpu.matmul %convert_element_type3A_154, %convert_element_type3A_159, %dot_general3A_160 {dimension_numbers = #tpu.dot_dimension_numbers<[1], [0], [0], [1], [0, 0, 1, 1], [], []>, precision = #tpu.contract_precision<fp32>, transpose_lhs_hint = false} : vector<512x512xf32>, vector<512x128xf32>, vector<512x128xf32> -> vector<512x128xf32>
      %swap3A_162 = arith.constant 0 : index
      %swap3A_163 = arith.constant 0 : index
      %swap3A_164 = vector.load %arg22[%swap3A_162, %swap3A_163] : memref<512x128xf32, #tpu.memory_space<vmem>>, vector<512x128xf32>
      tpu.vector_store %arg22[%swap3A_162, %swap3A_163], %dot_general3A_161 {strides = array<i32>} : memref<512x128xf32, #tpu.memory_space<vmem>>, vector<512x128xf32>,
      %get3A_165 = arith.constant 0 : index
      %get3A_166 = arith.constant 0 : index
      %get3A_167 = vector.load %arg12[%get3A_165, %get3A_166] : memref<512x512xf32, #tpu.memory_space<vmem>>, vector<512x512xf32>
      %convert_element_type3A_168 = arith.truncf %get3A_167 : vector<512x512xf32> to vector<512x512xbf16>
      %convert_element_type3A_169 = arith.extf %convert_element_type3A_168 : vector<512x512xbf16> to vector<512x512xf32>
      %get3A_170 = arith.constant 0 : index
      %get3A_171 = arith.constant 0 : index
      %get3A_172 = vector.load %arg13[%get3A_170, %get3A_171] : memref<512x512xf32, #tpu.memory_space<vmem>>, vector<512x512xf32>
      %convert_element_type3A_173 = arith.truncf %get3A_172 : vector<512x512xf32> to vector<512x512xbf16>
      %convert_element_type3A_174 = arith.extf %convert_element_type3A_173 : vector<512x512xbf16> to vector<512x512xf32>
      %add3A_175 = arith.addf %convert_element_type3A_169, %convert_element_type3A_174 : vector<512x512xf32>
      %get3A_176 = arith.constant 0 : index
      %get3A_177 = arith.constant 0 : index
      %get3A_178 = vector.load %arg8[%get3A_176, %get3A_177] : memref<512x256xf32, #tpu.memory_space<vmem>>, vector<512x256xf32>
      %convert_element_type3A_179 = arith.truncf %get3A_178 : vector<512x256xf32> to vector<512x256xbf16>
      %convert_element_type3A_180 = arith.extf %convert_element_type3A_179 : vector<512x256xbf16> to vector<512x256xf32>
      %dot_general3A_181 = arith.constant dense<0.000000e+00> : vector<512x256xf32>
      %dot_general3A_182 = tpu.matmul %add3A_175, %convert_element_type3A_180, %dot_general3A_181 {dimension_numbers = #tpu.dot_dimension_numbers<[1], [0], [0], [1], [0, 0, 1, 1], [], []>, precision = #tpu.contract_precision<fp32>, transpose_lhs_hint = false} : vector<512x512xf32>, vector<512x256xf32>, vector<512x256xf32> -> vector<512x256xf32>
      %swap3A_183 = arith.constant 0 : index
      %swap3A_184 = arith.constant 0 : index
      %swap3A_185 = vector.load %arg23[%swap3A_183, %swap3A_184] : memref<512x256xf32, #tpu.memory_space<vmem>>, vector<512x256xf32>
      tpu.vector_store %arg23[%swap3A_183, %swap3A_184], %dot_general3A_182 {strides = array<i32>} : memref<512x256xf32, #tpu.memory_space<vmem>>, vector<512x256xf32>,
      %broadcast_in_dim3A_186 = arith.constant 0.000000e+00 : f32
      %broadcast_in_dim3A_187 = vector.broadcast %broadcast_in_dim3A_186 : f32 to vector<64x512xf32>
      %swap3A_188 = arith.constant 0 : index
      %swap3A_189 = arith.constant 0 : index
      %swap3A_190 = vector.load %arg24[%swap3A_188, %swap3A_189] : memref<64x512xf32, #tpu.memory_space<vmem>>, vector<64x512xf32>
      tpu.vector_store %arg24[%swap3A_188, %swap3A_189], %broadcast_in_dim3A_187 {strides = array<i32>} : memref<64x512xf32, #tpu.memory_space<vmem>>, vector<64x512xf32>,
      %broadcast_in_dim3A_191 = arith.constant 0.000000e+00 : f32
      %broadcast_in_dim3A_192 = vector.broadcast %broadcast_in_dim3A_191 : f32 to vector<64xf32>
      %swap3A_193 = arith.constant 0 : index
      %swap3A_194 = vector.load %arg25[%swap3A_193] : memref<64xf32, #tpu.memory_space<vmem>>, vector<64xf32>
      tpu.vector_store %arg25[%swap3A_193], %broadcast_in_dim3A_192 {strides = array<i32>} : memref<64xf32, #tpu.memory_space<vmem>>, vector<64xf32>,
    } else {
    }
    %get3A = arith.constant 0 : index
    %get3A_2 = arith.constant 0 : index
    %get3A_3 = arith.constant 0 : index
    %get3A_4 = vector.load %arg4[%get3A, %get3A_2, %get3A_3] : memref<2x1000x16xf32, #tpu.memory_space<vmem>>, vector<1x1000x1xf32>
    %get3A_5 = vector.shape_cast %get3A_4 : vector<1x1000x1xf32> to vector<1000xf32>
    %get3A_6 = arith.constant 1 : index
    %get3A_7 = arith.constant 0 : index
    %get3A_8 = arith.constant 0 : index
    %get3A_9 = vector.load %arg4[%get3A_6, %get3A_7, %get3A_8] : memref<2x1000x16xf32, #tpu.memory_space<vmem>>, vector<1x1000x1xf32>
    %get3A_10 = vector.shape_cast %get3A_9 : vector<1x1000x1xf32> to vector<1000xf32>
    %add3A = arith.addf %get3A_5, %get3A_10 : vector<1000xf32>
    %max3A = arith.constant 1.000000e+00 : f32
    %max3A_11 = vector.broadcast %max3A : f32 to vector<1000xf32>
    %max3A_12 = arith.maximumf %add3A, %max3A_11 : vector<1000xf32>
    %get3A_13 = arith.constant 0 : index
    %get3A_14 = arith.constant 0 : index
    %get3A_15 = arith.constant 0 : index
    %get3A_16 = vector.load %arg5[%get3A_13, %get3A_14, %get3A_15] : memref<2x1000x16xf32, #tpu.memory_space<vmem>>, vector<1x1000x1xf32>
    %get3A_17 = vector.shape_cast %get3A_16 : vector<1x1000x1xf32> to vector<1000xf32>
    %get3A_18 = arith.constant 1 : index
    %get3A_19 = arith.constant 0 : index
    %get3A_20 = arith.constant 0 : index
    %get3A_21 = vector.load %arg5[%get3A_18, %get3A_19, %get3A_20] : memref<2x1000x16xf32, #tpu.memory_space<vmem>>, vector<1x1000x1xf32>
    %get3A_22 = vector.shape_cast %get3A_21 : vector<1x1000x1xf32> to vector<1000xf32>
    %add3A_23 = arith.addf %get3A_17, %get3A_22 : vector<1000xf32>
    %max3A_24 = arith.constant 1.000000e+00 : f32
    %max3A_25 = vector.broadcast %max3A_24 : f32 to vector<1000xf32>
    %max3A_26 = arith.maximumf %add3A_23, %max3A_25 : vector<1000xf32>
    %get3A_27 = arith.constant 0 : index
    %get3A_28 = arith.constant 0 : index
    %get3A_29 = arith.constant 0 : index
    %get3A_30 = vector.load %arg1[%get3A_27, %get3A_28, %get3A_29] : memref<2x1000x128xf32, #tpu.memory_space<vmem>>, vector<1x1000x128xf32>
    %get3A_31 = vector.shape_cast %get3A_30 : vector<1x1000x128xf32> to vector<1000x128xf32>
    %get3A_32 = arith.constant 1 : index
    %get3A_33 = arith.constant 0 : index
    %get3A_34 = arith.constant 0 : index
    %get3A_35 = vector.load %arg1[%get3A_32, %get3A_33, %get3A_34] : memref<2x1000x128xf32, #tpu.memory_space<vmem>>, vector<1x1000x128xf32>
    %get3A_36 = vector.shape_cast %get3A_35 : vector<1x1000x128xf32> to vector<1000x128xf32>
    %add3A_37 = arith.addf %get3A_31, %get3A_36 : vector<1000x128xf32>
    %get3A_38 = arith.constant 0 : index
    %get3A_39 = arith.constant 0 : index
    %get3A_40 = arith.constant 0 : index
    %get3A_41 = vector.load %arg2[%get3A_38, %get3A_39, %get3A_40] : memref<2x1000x128xf32, #tpu.memory_space<vmem>>, vector<1x1000x128xf32>
    %get3A_42 = vector.shape_cast %get3A_41 : vector<1x1000x128xf32> to vector<1000x128xf32>
    %get3A_43 = arith.constant 1 : index
    %get3A_44 = arith.constant 0 : index
    %get3A_45 = arith.constant 0 : index
    %get3A_46 = vector.load %arg2[%get3A_43, %get3A_44, %get3A_45] : memref<2x1000x128xf32, #tpu.memory_space<vmem>>, vector<1x1000x128xf32>
    %get3A_47 = vector.shape_cast %get3A_46 : vector<1x1000x128xf32> to vector<1000x128xf32>
    %add3A_48 = arith.addf %get3A_42, %get3A_47 : vector<1000x128xf32>
    %concatenate3A = tpu.concatenate %add3A_37, %add3A_48 in 1 : vector<1000x128xf32>, vector<1000x128xf32> -> vector<1000x256xf32>
    %broadcast_in_dim3A = vector.shape_cast %max3A_12 : vector<1000xf32> to vector<1000x1xf32>
    %div3A = vector.broadcast %broadcast_in_dim3A : vector<1000x1xf32> to vector<1000x256xf32>
    %div3A_49 = arith.divf %concatenate3A, %div3A : vector<1000x256xf32>
    %get3A_50 = arith.constant 0 : index
    %get3A_51 = arith.constant 0 : index
    %get3A_52 = arith.constant 0 : index
    %get3A_53 = vector.load %arg3[%get3A_50, %get3A_51, %get3A_52] : memref<2x1000x128xf32, #tpu.memory_space<vmem>>, vector<1x1000x128xf32>
    %get3A_54 = vector.shape_cast %get3A_53 : vector<1x1000x128xf32> to vector<1000x128xf32>
    %get3A_55 = arith.constant 1 : index
    %get3A_56 = arith.constant 0 : index
    %get3A_57 = arith.constant 0 : index
    %get3A_58 = vector.load %arg3[%get3A_55, %get3A_56, %get3A_57] : memref<2x1000x128xf32, #tpu.memory_space<vmem>>, vector<1x1000x128xf32>
    %get3A_59 = vector.shape_cast %get3A_58 : vector<1x1000x128xf32> to vector<1000x128xf32>
    %add3A_60 = arith.addf %get3A_54, %get3A_59 : vector<1000x128xf32>
    %broadcast_in_dim3A_61 = vector.shape_cast %max3A_26 : vector<1000xf32> to vector<1000x1xf32>
    %div3A_62 = vector.broadcast %broadcast_in_dim3A_61 : vector<1000x1xf32> to vector<1000x128xf32>
    %div3A_63 = arith.divf %add3A_60, %div3A_62 : vector<1000x128xf32>
    %get3A_64 = arith.constant 0 : index
    %get3A_65 = arith.constant 0 : index
    %get3A_66 = vector.load %arg21[%get3A_64, %get3A_65] : memref<512x256xf32, #tpu.memory_space<vmem>>, vector<512x256xf32>
    %dot_general3A = arith.constant dense<0.000000e+00> : vector<1000x512xf32>
    %dot_general3A_67 = tpu.matmul %div3A_49, %get3A_66, %dot_general3A {dimension_numbers = #tpu.dot_dimension_numbers<[1], [1], [0], [0], [0, 0, 1, 0], [], []>, precision = #tpu.contract_precision<fp32>, transpose_lhs_hint = false} : vector<1000x256xf32>, vector<512x256xf32>, vector<1000x512xf32> -> vector<1000x512xf32>
    %get3A_68 = arith.constant 0 : index
    %get3A_69 = arith.constant 0 : index
    %get3A_70 = vector.load %arg22[%get3A_68, %get3A_69] : memref<512x128xf32, #tpu.memory_space<vmem>>, vector<512x128xf32>
    %dot_general3A_71 = arith.constant dense<0.000000e+00> : vector<1000x512xf32>
    %dot_general3A_72 = tpu.matmul %div3A_63, %get3A_70, %dot_general3A_71 {dimension_numbers = #tpu.dot_dimension_numbers<[1], [1], [0], [0], [0, 0, 1, 0], [], []>, precision = #tpu.contract_precision<fp32>, transpose_lhs_hint = false} : vector<1000x128xf32>, vector<512x128xf32>, vector<1000x512xf32> -> vector<1000x512xf32>
    %add3A_73 = arith.addf %dot_general3A_67, %dot_general3A_72 : vector<1000x512xf32>
    %get3A_74 = arith.constant 0 : index
    %get3A_75 = arith.constant 0 : index
    %get3A_76 = vector.load %arg6[%get3A_74, %get3A_75] : memref<1000x256xf32, #tpu.memory_space<vmem>>, vector<1000x256xf32>
    %get3A_77 = arith.constant 0 : index
    %get3A_78 = arith.constant 0 : index
    %get3A_79 = vector.load %arg23[%get3A_77, %get3A_78] : memref<512x256xf32, #tpu.memory_space<vmem>>, vector<512x256xf32>
    %dot_general3A_80 = arith.constant dense<0.000000e+00> : vector<1000x512xf32>
    %dot_general3A_81 = tpu.matmul %get3A_76, %get3A_79, %dot_general3A_80 {dimension_numbers = #tpu.dot_dimension_numbers<[1], [1], [0], [0], [0, 0, 1, 0], [], []>, precision = #tpu.contract_precision<fp32>, transpose_lhs_hint = false} : vector<1000x256xf32>, vector<512x256xf32>, vector<1000x512xf32> -> vector<1000x512xf32>
    %add3A_82 = arith.addf %add3A_73, %dot_general3A_81 : vector<1000x512xf32>
    %get3A_83 = arith.constant 0 : index
    %get3A_84 = vector.load %arg14[%get3A_83] : memref<512xf32, #tpu.memory_space<vmem>>, vector<512xf32>
    %get3A_85 = arith.constant 0 : index
    %get3A_86 = vector.load %arg15[%get3A_85] : memref<512xf32, #tpu.memory_space<vmem>>, vector<512xf32>
    %add3A_87 = arith.addf %get3A_84, %get3A_86 : vector<512xf32>
    %broadcast_in_dim3A_88 = vector.shape_cast %add3A_87 : vector<512xf32> to vector<1x512xf32>
    %add3A_89 = vector.broadcast %broadcast_in_dim3A_88 : vector<1x512xf32> to vector<1000x512xf32>
    %add3A_90 = arith.addf %add3A_82, %add3A_89 : vector<1000x512xf32>
    %get3A_91 = arith.constant 0 : index
    %get3A_92 = arith.constant 0 : index
    %get3A_93 = vector.load %arg16[%get3A_91, %get3A_92] : memref<512x512xf32, #tpu.memory_space<vmem>>, vector<512x512xf32>
    %convert_element_type3A_94 = arith.truncf %get3A_93 : vector<512x512xf32> to vector<512x512xbf16>
    %convert_element_type3A_95 = arith.extf %convert_element_type3A_94 : vector<512x512xbf16> to vector<512x512xf32>
    %dot_general3A_96 = arith.constant dense<0.000000e+00> : vector<1000x512xf32>
    %dot_general3A_97 = tpu.matmul %add3A_90, %convert_element_type3A_95, %dot_general3A_96 {dimension_numbers = #tpu.dot_dimension_numbers<[1], [1], [0], [0], [0, 0, 1, 0], [], []>, precision = #tpu.contract_precision<fp32>, transpose_lhs_hint = false} : vector<1000x512xf32>, vector<512x512xf32>, vector<1000x512xf32> -> vector<1000x512xf32>
    %get3A_98 = arith.constant 0 : index
    %get3A_99 = vector.load %arg17[%get3A_98] : memref<512xf32, #tpu.memory_space<vmem>>, vector<512xf32>
    %broadcast_in_dim3A_100 = vector.shape_cast %get3A_99 : vector<512xf32> to vector<1x512xf32>
    %add3A_101 = vector.broadcast %broadcast_in_dim3A_100 : vector<1x512xf32> to vector<1000x512xf32>
    %add3A_102 = arith.addf %dot_general3A_97, %add3A_101 : vector<1000x512xf32>
    %max3A_103 = arith.constant 0.000000e+00 : f32
    %max3A_104 = vector.broadcast %max3A_103 : f32 to vector<1000x512xf32>
    %max3A_105 = arith.maximumf %add3A_102, %max3A_104 : vector<1000x512xf32>
    %get3A_106 = arith.constant 0 : index
    %get3A_107 = arith.constant 0 : index
    %get3A_108 = arith.constant 0 : index
    %get3A_109 = vector.load %arg7[%get3A_106, %get3A_107, %get3A_108] : memref<1x1x1000xi32, #tpu.memory_space<vmem>>, vector<1x1x1000xi32>
    %get3A_110 = vector.shape_cast %get3A_109 : vector<1x1x1000xi32> to vector<1000xi32>
    %broadcast_in_dim3A_111 = vector.shape_cast %get3A_110 : vector<1000xi32> to vector<1000x1xi32>
    %iota3A = tpu.iota {dimensions = array<i32: 1>} : vector<1000x64xi32>
    %eq3A_112 = vector.broadcast %broadcast_in_dim3A_111 : vector<1000x1xi32> to vector<1000x64xi32>
    %eq3A_113 = arith.cmpi eq, %eq3A_112, %iota3A : vector<1000x64xi32>
    %convert_element_type3A_114 = arith.extui %eq3A_113 : vector<1000x64xi1> to vector<1000x64xi32>
    %convert_element_type3A_115 = arith.sitofp %convert_element_type3A_114 : vector<1000x64xi32> to vector<1000x64xf32>
    %get3A_116 = arith.constant 0 : index
    %get3A_117 = arith.constant 0 : index
    %get3A_118 = vector.load %arg24[%get3A_116, %get3A_117] : memref<64x512xf32, #tpu.memory_space<vmem>>, vector<64x512xf32>
    %dot_general3A_119 = arith.constant dense<0.000000e+00> : vector<64x512xf32>
    %dot_general3A_120 = tpu.matmul %convert_element_type3A_115, %max3A_105, %dot_general3A_119 {dimension_numbers = #tpu.dot_dimension_numbers<[0], [0], [1], [1], [0, 1, 1, 1], [], []>, precision = #tpu.contract_precision<fp32>, transpose_lhs_hint = false} : vector<1000x64xf32>, vector<1000x512xf32>, vector<64x512xf32> -> vector<64x512xf32>
    %add3A_121 = arith.addf %get3A_118, %dot_general3A_120 : vector<64x512xf32>
    %swap3A = arith.constant 0 : index
    %swap3A_122 = arith.constant 0 : index
    %swap3A_123 = vector.load %arg24[%swap3A, %swap3A_122] : memref<64x512xf32, #tpu.memory_space<vmem>>, vector<64x512xf32>
    tpu.vector_store %arg24[%swap3A, %swap3A_122], %add3A_121 {strides = array<i32>} : memref<64x512xf32, #tpu.memory_space<vmem>>, vector<64x512xf32>,
    %get3A_124 = arith.constant 0 : index
    %get3A_125 = vector.load %arg25[%get3A_124] : memref<64xf32, #tpu.memory_space<vmem>>, vector<64xf32>
    %reduce_sum3A = arith.constant dense<0.000000e+00> : vector<64xf32>
    %reduce_sum3A_126 = vector.multi_reduction <add>, %convert_element_type3A_115, %reduce_sum3A [0] : vector<1000x64xf32> to vector<64xf32>
    %add3A_127 = arith.addf %get3A_125, %reduce_sum3A_126 : vector<64xf32>
    %swap3A_128 = arith.constant 0 : index
    %swap3A_129 = vector.load %arg25[%swap3A_128] : memref<64xf32, #tpu.memory_space<vmem>>, vector<64xf32>
    tpu.vector_store %arg25[%swap3A_128], %add3A_127 {strides = array<i32>} : memref<64xf32, #tpu.memory_space<vmem>>, vector<64xf32>,
    %eq3A_130 = arith.constant 9 : i32
    %eq3A_131 = arith.cmpi eq, %arg0, %eq3A_130 : i32
    %convert_element_type3A_132 = arith.extui %eq3A_131 : i1 to i32
    %cond3A_133 = arith.constant 0 : i32
    %cond3A_134 = arith.cmpi ne, %convert_element_type3A_132, %cond3A_133 : i32
    scf.if %cond3A_134 {
      %get3A_135 = arith.constant 0 : index
      %get3A_136 = arith.constant 0 : index
      %get3A_137 = vector.load %arg24[%get3A_135, %get3A_136] : memref<64x512xf32, #tpu.memory_space<vmem>>, vector<64x512xf32>
      %get3A_138 = arith.constant 0 : index
      %get3A_139 = vector.load %arg25[%get3A_138] : memref<64xf32, #tpu.memory_space<vmem>>, vector<64xf32>
      %max3A_140 = arith.constant 1.000000e+00 : f32
      %max3A_141 = vector.broadcast %max3A_140 : f32 to vector<64xf32>
      %max3A_142 = arith.maximumf %get3A_139, %max3A_141 : vector<64xf32>
      %broadcast_in_dim3A_143 = vector.shape_cast %max3A_142 : vector<64xf32> to vector<64x1xf32>
      %div3A_144 = vector.broadcast %broadcast_in_dim3A_143 : vector<64x1xf32> to vector<64x512xf32>
      %div3A_145 = arith.divf %get3A_137, %div3A_144 : vector<64x512xf32>
      %convert_element_type3A_146 = arith.truncf %div3A_145 : vector<64x512xf32> to vector<64x512xbf16>
      %convert_element_type3A_147 = arith.extf %convert_element_type3A_146 : vector<64x512xbf16> to vector<64x512xf32>
      %get3A_148 = arith.constant 0 : index
      %get3A_149 = arith.constant 0 : index
      %get3A_150 = vector.load %arg18[%get3A_148, %get3A_149] : memref<64x512xf32, #tpu.memory_space<vmem>>, vector<64x512xf32>
      %convert_element_type3A_151 = arith.truncf %get3A_150 : vector<64x512xf32> to vector<64x512xbf16>
      %convert_element_type3A_152 = arith.extf %convert_element_type3A_151 : vector<64x512xbf16> to vector<64x512xf32>
      %dot_general3A_153 = arith.constant dense<0.000000e+00> : vector<64x64xf32>
      %dot_general3A_154 = tpu.matmul %convert_element_type3A_147, %convert_element_type3A_152, %dot_general3A_153 {dimension_numbers = #tpu.dot_dimension_numbers<[1], [1], [0], [0], [0, 0, 1, 0], [], []>, precision = #tpu.contract_precision<fp32>, transpose_lhs_hint = false} : vector<64x512xf32>, vector<64x512xf32>, vector<64x64xf32> -> vector<64x64xf32>
      %get3A_155 = arith.constant 0 : index
      %get3A_156 = vector.load %arg19[%get3A_155] : memref<64xf32, #tpu.memory_space<vmem>>, vector<64xf32>
      %broadcast_in_dim3A_157 = vector.shape_cast %get3A_156 : vector<64xf32> to vector<1x64xf32>
      %add3A_158 = vector.broadcast %broadcast_in_dim3A_157 : vector<1x64xf32> to vector<64x64xf32>
      %add3A_159 = arith.addf %dot_general3A_154, %add3A_158 : vector<64x64xf32>
      %swap3A_160 = arith.constant 0 : index
      %swap3A_161 = arith.constant 0 : index
      %swap3A_162 = vector.load %arg20[%swap3A_160, %swap3A_161] : memref<64x64xf32, #tpu.memory_space<vmem>>, vector<64x64xf32>
      tpu.vector_store %arg20[%swap3A_160, %swap3A_161], %add3A_159 {strides = array<i32>} : memref<64x64xf32, #tpu.memory_space<vmem>>, vector<64x64xf32>,
    } else {
    }
    return
  }
  func.func @transform_0(%arg0: i32) -> (i32, i32, i32) {
    %c0_i32 = arith.constant 0 : i32
    %c0_i32_0 = arith.constant 0 : i32
    %c0_i32_1 = arith.constant 0 : i32
    return %c0_i32, %arg0, %c0_i32_0 : i32, i32, i32
  }
  func.func @transform_1(%arg0: i32) -> (i32, i32, i32) {
    %c0_i32 = arith.constant 0 : i32
    %c0_i32_0 = arith.constant 0 : i32
    %c0_i32_1 = arith.constant 0 : i32
    return %c0_i32, %arg0, %c0_i32_0 : i32, i32, i32
  }
  func.func @transform_2(%arg0: i32) -> (i32, i32, i32) {
    %c0_i32 = arith.constant 0 : i32
    %c0_i32_0 = arith.constant 0 : i32
    %c0_i32_1 = arith.constant 0 : i32
    return %c0_i32, %arg0, %c0_i32_0 : i32, i32, i32
  }
  func.func @transform_3(%arg0: i32) -> (i32, i32, i32) {
    %c0_i32 = arith.constant 0 : i32
    %c0_i32_0 = arith.constant 0 : i32
    %c0_i32_1 = arith.constant 0 : i32
    return %c0_i32, %arg0, %c0_i32_0 : i32, i32, i32
  }
  func.func @transform_4(%arg0: i32) -> (i32, i32, i32) {
    %c0_i32 = arith.constant 0 : i32
    %c0_i32_0 = arith.constant 0 : i32
    %c0_i32_1 = arith.constant 0 : i32
    return %c0_i32, %arg0, %c0_i32_0 : i32, i32, i32
  }
  func.func @transform_5(%arg0: i32) -> (i32, i32) {
    %c0_i32 = arith.constant 0 : i32
    %c0_i32_0 = arith.constant 0 : i32
    return %arg0, %c0_i32 : i32, i32
  }
  func.func @transform_6(%arg0: i32) -> (i32, i32, i32) {
    %c0_i32 = arith.constant 0 : i32
    %c0_i32_0 = arith.constant 0 : i32
    %c0_i32_1 = arith.constant 0 : i32
    return %arg0, %c0_i32, %c0_i32_0 : i32, i32, i32
  }
  func.func @transform_7(%arg0: i32) -> (i32, i32) {
    %c0_i32 = arith.constant 0 : i32
    %c0_i32_0 = arith.constant 0 : i32
    %c0_i32_1 = arith.constant 0 : i32
    return %c0_i32, %c0_i32_0 : i32, i32
  }
  func.func @transform_8(%arg0: i32) -> (i32, i32) {
    %c0_i32 = arith.constant 0 : i32
    %c0_i32_0 = arith.constant 0 : i32
    %c0_i32_1 = arith.constant 0 : i32
    return %c0_i32, %c0_i32_0 : i32, i32
  }
  func.func @transform_9(%arg0: i32) -> (i32, i32) {
    %c0_i32 = arith.constant 0 : i32
    %c0_i32_0 = arith.constant 0 : i32
    %c0_i32_1 = arith.constant 0 : i32
    return %c0_i32, %c0_i32_0 : i32, i32
  }
  func.func @transform_10(%arg0: i32) -> (i32, i32) {
    %c0_i32 = arith.constant 0 : i32
    %c0_i32_0 = arith.constant 0 : i32
    %c0_i32_1 = arith.constant 0 : i32
    return %c0_i32, %c0_i32_0 : i32, i32
  }
  func.func @transform_11(%arg0: i32) -> (i32, i32) {
    %c0_i32 = arith.constant 0 : i32
    %c0_i32_0 = arith.constant 0 : i32
    %c0_i32_1 = arith.constant 0 : i32
    return %c0_i32, %c0_i32_0 : i32, i32
  }
  func.func @transform_12(%arg0: i32) -> (i32, i32) {
    %c0_i32 = arith.constant 0 : i32
    %c0_i32_0 = arith.constant 0 : i32
    %c0_i32_1 = arith.constant 0 : i32
    return %c0_i32, %c0_i32_0 : i32, i32
  }
  func.func @transform_13(%arg0: i32) -> i32 {
    %c0_i32 = arith.constant 0 : i32
    %c0_i32_0 = arith.constant 0 : i32
    return %c0_i32 : i32
  }
  func.func @transform_14(%arg0: i32) -> i32 {
    %c0_i32 = arith.constant 0 : i32
    %c0_i32_0 = arith.constant 0 : i32
    return %c0_i32 : i32
  }
  func.func @transform_15(%arg0: i32) -> (i32, i32) {
    %c0_i32 = arith.constant 0 : i32
    %c0_i32_0 = arith.constant 0 : i32
    %c0_i32_1 = arith.constant 0 : i32
    return %c0_i32, %c0_i32_0 : i32, i32
  }
  func.func @transform_16(%arg0: i32) -> i32 {
    %c0_i32 = arith.constant 0 : i32
    %c0_i32_0 = arith.constant 0 : i32
    return %c0_i32 : i32
  }
  func.func @transform_17(%arg0: i32) -> (i32, i32) {
    %c0_i32 = arith.constant 0 : i32
    %c0_i32_0 = arith.constant 0 : i32
    %c0_i32_1 = arith.constant 0 : i32
    return %c0_i32, %c0_i32_0 : i32, i32
  }
  func.func @transform_18(%arg0: i32) -> i32 {
    %c0_i32 = arith.constant 0 : i32
    %c0_i32_0 = arith.constant 0 : i32
    return %c0_i32 : i32
  }
  func.func @transform_19(%arg0: i32) -> (i32, i32) {
    %c0_i32 = arith.constant 0 : i32
    %c0_i32_0 = arith.constant 0 : i32
    %c0_i32_1 = arith.constant 0 : i32
    return %c0_i32, %c0_i32_0 : i32, i32
  }
}

</mosaic_0001>

<sc_bundles>
// kernel: kernel.4.cloned.1.call-start
scs
__scs_entry_jumppad:
0x0: {  	(pc) =	sbr.rel $0x88, $3  }
0x1: {  	(tag) =	ssettag $0x0;
	lr =	simm.s32 $0x1  }
0x2: {  	[smem:$0x3F8C] =	sst lr;
	_ =	strace $0xD0000000  }
0x3: {  	_ = 	snop  }
0x4: {  	_ = 	snop  }
0x5: {  	_ = 	snop  }
0x6: {  	_ = 	snop  }
0x7: {  	_ = 	snop  }
__scs_overlays_trampoline_lowered:
0x8: {  	[smem:$0x3F9B] =	sst s0  }
0x9: {  	[smem:$0x3F9C] =	sst s1  }
0xa: {  	[smem:$0x3F9D] =	sst s2  }
0xb: {  	[smem:$0x3F9E] =	sst s3  }
0xc: {  	[smem:$0x3F9F] =	sst s4  }
0xd: {  	[smem:$0x3FA0] =	sst s5  }
0xe: {  	[smem:$0x3FA1] =	sst s6  }
0xf: {  	[smem:$0x3FA2] =	sst s7  }
0x10: {  	[smem:$0x3FA3] =	sst s8  }
0x11: {  	[smem:$0x3FA4] =	sst s9;
	s0 =	simm.s32 @!p0 $0x0  }
0x12: {  	s1 =	sld [smem:$0x3F8A];
	s0 =	simm.s32 @p0 $0x1  }
0x13: {  	[smem:$0x3FA5] =	sst s0;
	s0 =	simm.s32 @!p1 $0x0  }
0x14: {  	s2 =	sld [smem:$0x3F89];
	s0 =	simm.s32 @p1 $0x1  }
0x15: {  	[smem:$0x3FA6] =	sst s0;
	s0 =	simm.s32 @!p2 $0x0  }
0x16: {  	s3 =	sld [smem:$0x3FDB];
	s0 =	simm.s32 @p2 $0x1  }
0x17: {  	s4 =	simm.s32 $0x1BF5;
	[smem:$0x3FA8] =	sst s0  }
0x18: {  	s0 =	sld [smem:$0x3F8B];
	_ =	swait.ge [sflag:s4], $0x0  }
0x19: {  	s7 =	sld [smem:$0x3F8C]  }
0x1a: {  	s8 =	sadd.s32 $0xFFFFE003, lr  }
0x1b: {  	s9 =	sadd.s32 $0xFFFFFEF7, lr;
	s5 =	simm.s32 $0xFFFFFFFF;
	p2 =	slt.u32 s8, $0xFFFFF086  }
0x1c: {  	p1 =	slt.u32 s9, $0xF7A;
	s5 =	simm.s32 @!p2 $0x0  }
0x1d: {  	s5 =	simm.s32 @p1 $0x1;
	p0 =	seq.s32 s7, s2  }
0x1e: {  	s7 =	smul.u32 @!p0 $0xF7A, s2;
	p2 =	seq.s32 @!p0 s5, $0x0  }
0x1f: {  	s9 =	smul.u32 $0xF7A, s1;
	s8 =	simm.s32 @!p0 $0x1BF5;
	p2 =	por !p2, p0  }
0x20: {  	[sflag:s8] =	ssyncset.s32 @!p0 $0xFFFFF086;
	s6 =	sadd.s32 @!p0 s3, s7;
	s7 =	simm.s32 @!p0 $0x108  }
0x21: {  	s3 =	sadd.s32 s3, s9;
	s6 =	sadd.s32 @!p0 $0x88, s6;
	s7 =	simm.s32 @p2 $0x1082  }
0x22: {  	[simem:s7], [sflag:s8] =	dma.local @!p0 [hbm:s6], $0xF7A  }
0x23: {  	s9 =	sor.u32 $0xD0000000, s2;
	s6 =	simm.s32 $0x108;
	_ =	swait.ge @!p0 [sflag:s8], $0x0  }
0x24: {  	s3 =	sadd.s32 $0x88, s3;
	s6 =	simm.s32 @!p1 $0x1082;
	[sflag:s4] =	ssyncset.s32 $0xFFFFF086  }
0x25: {  	[simem:s6], [sflag:s4] =	dma.local [hbm:s3], $0xF7A  }
0x26: {  	[smem:$0x3F8C] =	sst s1;
	(tag) =	ssettag s2;
	_ =	strace s9  }
0x27: {  	s1 =	sld [smem:$0x3F9C]  }
0x28: {  	s2 =	sld [smem:$0x3F9D]  }
0x29: {  	s4 =	sld [smem:$0x3F9F]  }
0x2a: {  	p0 =	seq.s32 s5, $0x0;
	s5 =	sld [smem:$0x3FA0]  }
0x2b: {  	s6 =	sld [smem:$0x3FA1]  }
0x2c: {  	s7 =	sld [smem:$0x3FA2]  }
0x2d: {  	s3 =	simm.s32 $0x108;
	s8 =	sld [smem:$0x3FA3]  }
0x2e: {  	s3 =	simm.s32 @!p0 $0x1082;
	s9 =	sld [smem:$0x3FA4]  }
0x2f: {  	lr =	sadd.s32 s0, s3;
	s0 =	sld [smem:$0x3F9B]  }
0x30: {  	s3 =	sld [smem:$0x3F9E]  }
0x31: {  	[smem:$0x3FA7] =	sst s10  }
0x32: {  	s10 =	sld [smem:$0x3FA5];
	_ =	sdelay $0x3  }
0x33: {  	p0 =	seq.s32 s10, $0x1;
	s10 =	sld [smem:$0x3FA7];
	_ =	sdelay $0x3  }
0x34: {  	[smem:$0x3FA7] =	sst s10  }
0x35: {  	s10 =	sld [smem:$0x3FA6];
	_ =	sdelay $0x3  }
0x36: {  	p1 =	seq.s32 s10, $0x1;
	s10 =	sld [smem:$0x3FA7];
	_ =	sdelay $0x3  }
0x37: {  	[smem:$0x3FA7] =	sst s10  }
0x38: {  	s10 =	sld [smem:$0x3FA8]  }
0x39: {  	_ = 	snop;
	(pc) =	sbr.ind lr, $3  }
0x3a: {  	_ = 	snop  }
0x3b: {  	_ = 	snop  }
0x3c: {  	p2 =	seq.s32 s10, $0x1;
	s10 =	sld [smem:$0x3FA7]  }
0x3d: {  	_ =	shalt  }
0x3e: {  	_ =	shalt  }
0x3f: {  	_ =	shalt  }
0x40: {  	_ =	shalt  }
0x41: {  	_ =	shalt  }
0x42: {  	_ =	shalt  }
0x43: {  	_ =	shalt  }
0x44: {  	_ =	shalt  }
0x45: {  	_ =	shalt  }
0x46: {  	_ =	shalt  }
0x47: {  	_ =	shalt  }
0x48: {  	_ =	shalt  }
0x49: {  	_ =	shalt  }
0x4a: {  	_ =	shalt  }
0x4b: {  	_ =	shalt  }
0x4c: {  	_ =	shalt  }
0x4d: {  	_ =	shalt  }
0x4e: {  	_ =	shalt  }
0x4f: {  	_ =	shalt  }
0x50: {  	_ =	shalt  }
0x51: {  	_ =	shalt  }
0x52: {  	_ =	shalt  }
0x53: {  	_ =	shalt  }
0x54: {  	_ =	shalt  }
0x55: {  	_ =	shalt  }
0x56: {  	_ =	shalt  }
0x57: {  	_ =	shalt  }
0x58: {  	_ =	shalt  }
0x59: {  	_ =	shalt  }
0x5a: {  	_ =	shalt  }
0x5b: {  	_ =	shalt  }
0x5c: {  	_ =	shalt  }
0x5d: {  	_ =	shalt  }
0x5e: {  	_ =	shalt  }
0x5f: {  	_ =	shalt  }
0x60: {  	_ =	shalt  }
0x61: {  	_ =	shalt  }
0x62: {  	_ =	shalt  }
0x63: {  	_ =	shalt  }
0x64: {  	_ =	shalt  }
0x65: {  	_ =	shalt  }
0x66: {  	_ =	shalt  }
0x67: {  	_ =	shalt  }
0x68: {  	_ =	shalt  }
0x69: {  	_ =	shalt  }
0x6a: {  	_ =	shalt  }
0x6b: {  	_ =	shalt  }
0x6c: {  	_ =	shalt  }
0x6d: {  	_ =	shalt  }
0x6e: {  	_ =	shalt  }
0x6f: {  	_ =	shalt  }
0x70: {  	_ =	shalt  }
0x71: {  	_ =	shalt  }
0x72: {  	_ =	shalt  }
0x73: {  	_ =	shalt  }
0x74: {  	_ =	shalt  }
0x75: {  	_ =	shalt  }
0x76: {  	_ =	shalt  }
0x77: {  	_ =	shalt  }
0x78: {  	_ =	shalt  }
0x79: {  	_ =	shalt  }
0x7a: {  	_ =	shalt  }
0x7b: {  	_ =	shalt  }
0x7c: {  	_ =	shalt  }
0x7d: {  	_ =	shalt  }
0x7e: {  	_ =	shalt  }
0x7f: {  	_ =	shalt  }
0x80: {  	_ =	shalt  }
0x81: {  	_ =	shalt  }
0x82: {  	_ =	shalt  }
0x83: {  	_ =	shalt  }
0x84: {  	_ =	shalt  }
0x85: {  	_ =	shalt  }
0x86: {  	_ =	shalt  }
0x87: {  	_ =	shalt  }
.Lfunc_end0:
.L_simem_size_0:
called_computation_lowered:
.L_overlay_start_0:
0x88: {  	s2 =	sld [smem:$0x3FD9]  }
0x89: {  	s3 =	sld [smem:$0x3FFE];
	_ =	sdelay $0x1  }
0x8a: {  	s1 =	srdreg.scid  }
0x8b: {  	s0 =	sand.u32 $0x1, s1  }
0x8c: {  	s14 =	sshll.u32 s0, $0xA;
	s2 =	sadd.s32 s3, s2  }
0x8d: {  	s2 =	sadd.s32 s2, s14  }
0x8e: {  	[smem:$0x3FB3] =	sst s2  }
0x8f: {  	_ = 	snop  }
0x90: {  	s2 =	sld [smem:$0x3FD0];
	_ =	sdelay $0x2  }
0x91: {  	s4 =	simm.s32 $0xA;
	s5 =	simm.s32 $0x10;
	s15 =	sld [smem:$0x3FC8]  }
0x92: {  	[smem:s5], [sflag:s4] =	dma.local [hbm:s2], $0x1  }
0x93: {  	_ =	swait.eq [sflag:s4], $0x1  }
0x94: {  	[sflag:s4] =	ssyncset.done $0x0  }
0x95: {  	[sflag:s4] =	ssyncadd.s32 $0xFFFFFFFF  }
0x96: {  	s16 =	sld [smem:$0x10];
	(tm) =	ssettm $0x1  }
0x97: {  	s17 =	sld [smem:$0x3FFB];
	_ =	sdelay $0x3  }
0x98: {  	_ =	strace s17  }
0x99: {  	s4 =	sld [smem:$0x3FFC];
	_ =	sdelay $0x3  }
0x9a: {  	_ =	strace s4  }
0x9b: {  	s4 =	sld [smem:$0x3FFD];
	_ =	sdelay $0x3  }
0x9c: {  	_ =	strace s4  }
0x9d: {  	_ =	strace $0x8FFFFFFF  }
0x9e: {  	s18 =	sld [smem:$0x3FDB];
	_ =	sdelay $0x1  }
0x9f: {  	s19 =	simm.s32 $_scs_section_size  }
0xa0: {  	s6 =	simm.s32 $_size__tile_overlayer_lowered;
	s7 =	simm.s32 $_tile_overlayer_lowered  }
0xa1: {  	s22 =	simm.s32 $0x1BFF;
	s21 =	sshll.u32 s7, $0x1;
	s4 =	sadd.s32 s19, s18  }
0xa2: {  	s8 =	simm.s32 $0x0;
	s20 =	sshll.u32 s6, $0x1;
	s6 =	sadd.s32 s21, s4  }
0xa3: {  	[timem:s8], [sflag:s22] =	dma.local [hbm:s6], s20  }
0xa4: {  	_ =	swait.ge [sflag:s22], s20  }
0xa5: {  	s5 =	ssub.s32 $0x0, s20;
	[sflag:s22] =	ssyncset.done $0x0  }
0xa6: {  	[sflag:s22] =	ssyncadd.s32 s5;
	_ =	sdelay $0x1  }
0xa7: {  	s23 =	simm.s32 $0x1B8B  }
0xa8: {  	_ =	swait.ge [sflag:s23], $0x1  }
0xa9: {  	[sflag:s23] =	ssyncset.done $0x0  }
0xaa: {  	s25 =	simm.s32 $0x1B8E;
	s24 =	sld [smem:$0x3FFE];
	[sflag:s23] =	ssyncadd.s32 $0xFFFFFFFF  }
0xab: {  	s26 =	simm.s32 $execute0_lowered;
	[smem:$0x3FD2] =	sst s25  }
0xac: {  	s6 =	sshll.u32 s26, $0x1;
	_ =	strace $0x80000046;
	[dreg:$0x1] =	wrdreg $0xFFFFFFFF  }
0xad: {  	s28 =	simm.s32 $_size_execute0_lowered;
	s4 =	sadd.s32 s4, s6;
	[dreg:$0x0] =	wrdreg $0x0  }
0xae: {  	s6 =	sshll.u32 s28, $0x1;
	[dreg:$0x2] =	wrdreg s4  }
0xaf: {  	[dreg:$0x3] =	wrdreg s6  }
0xb0: {  	[dreg:$0x4] =	wrdreg $0xC0  }
0xb1: {  	_ =	task [dreg:s8], $0x5FFFF  }
0xb2: {  	[dreg:$0x1] =	wrdreg $0xFFFFFFFF  }
0xb3: {  	[dreg:$0x0] =	wrdreg $0x60  }
0xb4: {  	[dreg:$0x2] =	wrdreg s24  }
0xb5: {  	[dreg:$0x3] =	wrdreg s15  }
0xb6: {  	[dreg:$0x4] =	wrdreg s16  }
0xb7: {  	[dreg:$0x5] =	wrdreg $0x0  }
0xb8: {  	[dreg:$0x6] =	wrdreg $0x140000  }
0xb9: {  	[dreg:$0x7] =	wrdreg $0x168000  }
0xba: {  	[dreg:$0x8] =	wrdreg $0x9  }
0xbb: {  	_ =	task.clear_ibuf [dreg:s8], $0x9FFFF;
	_ =	strace $0x90000046  }
0xbc: {  	s29 =	simm.s32 $0x9;
	_ =	strace $0x80000048  }
0xbd: {  	_ =	swait.ge [sflag:s29], $0x1  }
0xbe: {  	[sflag:s29] =	ssyncadd.s32 $0xFFFFFFFF  }
0xbf: {  	_ =	strace $0x90000048  }
0xc0: {  	_ =	sfence  }
0xc1: {  	s30 =	sld [smem:$0x0];
	_ =	sdelay $0x2  }
0xc2: {  	s31 =	sshll.u32 s1, $0xD;
	s1 =	sshrl.u32 s1, $0x2  }
0xc3: {  	s3 =	sand.u32 $0x4000, s31;
	s1 =	sadd.s32 s1, s30  }
0xc4: {  	s0 =	sor.u32 s3, s0;
	s1 =	sshll.u32 s1, $0x11  }
0xc5: {  	s0 =	sor.u32 s1, s0  }
0xc6: {  	s0 =	sadd.s32 $0x8F2B, s0  }
0xc7: {  	[sflag:s0] =	ssyncadd.remote.s32 $0x1  }
0xc8: {  	_ =	sfence.sel $0xFFFF  }
0xc9: {  	[dreg:$0x0] =	wrdreg $0xFFFFFFFF;
	(pc) =	sbr.abs _section_cstart, $3  }
0xca: {  	[dreg:$0x1] =	wrdreg $0xFFFFFFFF  }
0xcb: {  	_ =	task.clear_ibuf [dreg:s8], $0x2FFFF;
	_ =	strace $0x9FFFFFFF  }
0xcc: {  	(tm) =	ssettm $0x7FFFFFFF  }
0xcd: {  	_ =	shalt  }
tec
execute0_lowered:
.L_overlay_start_1:
0x0: {  	(tag) =	ssettag $0x1  }
0x1: {  	s0 =	rddreg [dreg:$0x0]  }
0x2: {  	s1 =	rddreg [dreg:$0x1]  }
0x3: {  	s3 =	rddreg [dreg:$0x3]  }
0x4: {  	s2 =	srdreg.scid;
	s5 =	rddreg [dreg:$0x4]  }
0x5: {  	s16 =	stileid.u32;
	s6 =	rddreg [dreg:$0x5]  }
0x6: {  	s7 =	simm.s32 $0x0;
	s28 =	simm.s32 $0x1CB10;
	s29 =	simm.s32 $0x19000  }
0x7: {  	s30 =	simm.s32 $0x1A388;
	s31 =	simm.s32 $0x28;
	s9 =	smul.u32 $0x14000, s16  }
0x8: {  	s2 =	sand.u32 $0x1, s2;
	s4 =	sshll.u32 s16, $0x1;
	s12 =	smul.u32 $0x2800, s16  }
0x9: {  	[smem:$0x7FF] =	sst s7;
	s8 =	sadd.s32 $0x2000, s0;
	s10 =	smul.u32 $0x140000, s2  }
0xa: {  	s19 =	sshll.u32 s16, $0x6;
	s4 =	sor.u32 s2, s4;
	s13 =	smul.u32 $0x28000, s2  }
0xb: {  	_ =	strace $0x80000047;
	s2 =	ssub.s32 $0x2, s2;
	s4 =	smul.u32 $0x271, s4  }
0xc: {  	s11 =	sshrl.u32 s9, $0x3;
	s14 =	sshrl.u32 s12, $0x3;
	s18 =	sshrl.u32 s2, $0x1  }
0xd: {  	s20 =	sadd.s32 s12, s5;
	s21 =	sadd.s32 s12, s6;
	s11 =	sadd.s32 s11, s0  }
0xe: {  	s14 =	sadd.s32 s14, s0;
	s10 =	sadd.s32 s9, s10;
	s13 =	sadd.s32 s12, s13  }
0xf: {  	s2 =	ssub.s32 s2, s18;
	s9 =	sadd.s32 s9, s3;
	[dreg:$0x8] =	wrdreg s20  }
0x10: {  	[dreg:$0x9] =	wrdreg s21;
	s4 =	sadd.s32 s4, s0;
	s10 =	sshrl.u32 s10, $0x3  }
0x11: {  	s13 =	sshrl.u32 s13, $0x3;
	[dreg:$0x7] =	wrdreg s9;
	s15 =	sadd.s32 s10, s0  }
0x12: {  	s0 =	sadd.s32 s13, s0;
	s10 =	sadd.s32 $0x69200, s11;
	s11 =	sor.u32 $0x1C02, s19  }
0x13: {  	s13 =	sadd.s32 $0x91200, s14;
	s22 =	sadd.s32 $0x55200, s4;
	s16 =	sadd.s32 $0x50200, s4  }
0x14: {  	s24 =	sadd.s32 $0x5A200, s4;
	s26 =	sadd.s32 $0x64200, s4;
	[dreg:$0xa] =	wrdreg s22  }
0x15: {  	s21 =	sadd.s32 $0x5F200, s4;
	s4 =	simm.s32 $0x1B710;
	[dreg:$0xc] =	wrdreg s24  }
0x16: {  	s23 =	sadd.s32 $0xAA200, s15;
	s25 =	sadd.s32 $0xFA200, s15;
	[dreg:$0xe] =	wrdreg s26  }
0x17: {  	s22 =	sadd.s32 $0x14A200, s15;
	s24 =	sadd.s32 $0xA0200, s0;
	[dreg:$0xb] =	wrdreg s23  }
0x18: {  	s26 =	simm.s32 $0x2;
	[dreg:$0xd] =	wrdreg s25;
	s23 =	sadd.s32 $0x96200, s0  }
0x19: {  	s25 =	smax.u32 s2, $0x1;
	s0 =	simm.s32 $0x1;
	s2 =	simm.s32 $0x0  }
.LBB2_1:
0x1a: {  	s9 =	rddreg [dreg:$0x7]  }
0x1b: {  	s9 =	sshrl.u32 s9, $0x3  }
0x1c: {  	[spmem:s9], [sflag:s11] =	dma.local [hbm:s10], $0x2800  }
0x1d: {  	_ =	swait.ge [sflag:s26], $0x2800  }
0x1e: {  	[sflag:s26] =	ssyncset.done $0x0;
	s12 =	rddreg [dreg:$0x8]  }
0x1f: {  	[sflag:s26] =	ssyncadd.s32 $0xFFFFD800;
	s12 =	sshrl.u32 s12, $0x3  }
0x20: {  	[spmem:s12], [sflag:s11] =	dma.local [hbm:s13], $0x500  }
0x21: {  	_ =	swait.ge [sflag:s26], $0x500  }
0x22: {  	[sflag:s26] =	ssyncset.done $0x0;
	s14 =	rddreg [dreg:$0x9]  }
0x23: {  	[sflag:s26] =	ssyncadd.s32 $0xFFFFFB00;
	s14 =	sshrl.u32 s14, $0x3  }
0x24: {  	[spmem:s14], [sflag:s11] =	dma.local [hbm:s13], $0x500  }
0x25: {  	_ =	swait.ge [sflag:s26], $0x500  }
0x26: {  	[sflag:s26] =	ssyncset.done $0x0  }
0x27: {  	[sflag:s26] =	ssyncadd.s32 $0xFFFFFB00  }
0x28: {  	s15 =	rddreg [dreg:$0x2]  }
0x29: {  	[tilespmem:s28], [sflag:$0x2] =	stream.linear.gather [hbm4b:s15+s7], $0x280, $0x38;
	[tilespmem:$0x1CD90] =	vst v63  }
0x2a: {  	_ =	swait.ge [sflag:s26], $0x280  }
0x2b: {  	[sflag:s26] =	ssyncset.done $0x0  }
0x2c: {  	[sflag:s26] =	ssyncadd.s32 $0xFFFFFD80  }
0x2d: {  	[bflag:$0x0] =	sbarrier.arrive $0xFFFF  }
0x2e: {  	s18 =	rddreg [dreg:$0xa]  }
0x2f: {  	[tilespmem:s29], [sflag:$0x2] =	stream.linear.gather [hbm4b:s18+s7], $0x1388, $0x38;
	[tilespmem:$0x1CD90] =	vst v63  }
0x30: {  	_ =	swait.ge [sflag:s26], $0x1388  }
0x31: {  	[sflag:s26] =	ssyncset.done $0x0  }
0x32: {  	[sflag:s26] =	ssyncadd.s32 $0xFFFFEC78  }
0x33: {  	[tilespmem:s30], [sflag:$0x2] =	stream.linear.gather [hbm4b:s16+s7], $0x1388, $0x38;
	[tilespmem:$0x1CD90] =	vst v63  }
0x34: {  	_ =	swait.ge [sflag:s26], $0x1388  }
0x35: {  	[sflag:s26] =	ssyncset.done $0x0  }
0x36: {  	s19 =	simm.s32 $0x19000;
	[sflag:s26] =	ssyncadd.s32 $0xFFFFEC78  }
0x37: {  	[tilespmem:s4], [sflag:$0x1] =	stream.indirect.gather [hbm4b:s8+s31], $0x80, s19, s31, $0xb8;
	[tilespmem:$0x1CD90] =	vst v63  }
0x38: {  	_ =	swait.ge [sflag:s0], $0x1400  }
0x39: {  	[sflag:s0] =	ssyncset.done $0x0  }
0x3a: {  	s20 =	simm.s32 $0x1A388;
	[sflag:s0] =	ssyncadd.s32 $0xFFFFEC00  }
0x3b: {  	[spmem:s3] =	stream.indirect.scatter.add.f32 [tilespmem:s4], [sflag:$0x2], $0x80, s20, s31, $0xb8;
	[tilespmem:$0x1CD90] =	vst v63  }
0x3c: {  	_ =	swait.ge [sflag:s26], $0x1400  }
0x3d: {  	[sflag:s26] =	ssyncset.done $0x0  }
0x3e: {  	[sflag:s26] =	ssyncadd.s32 $0xFFFFEC00  }
0x3f: {  	[spmem:s5] =	stream.indirect.scatter.add.f32 [tilespmem:s28], [sflag:$0x2], $0x10, s20, s31, $0xb8;
	[tilespmem:$0x1CD90] =	vst v63  }
0x40: {  	_ =	swait.ge [sflag:s26], $0x280  }
0x41: {  	s17 =	simm.s32 $0x140;
	s15 =	simm.s32 $0x28;
	[sflag:s26] =	ssyncset.done $0x0  }
.LBB2_2:
0x42: {  	s18 =	sadd.s32 $0x19000, s15  }
0x43: {  	[sflag:s26] =	ssyncadd.s32 $0xFFFFFD80;
	s19 =	smov.u32 s17;
	s20 =	sadd.s32 $0xA0, s17  }
0x44: {  	[tilespmem:s4], [sflag:$0x1] =	stream.indirect.gather [hbm4b:s8+s31], $0x80, s18, s31, $0xb8;
	[tilespmem:$0x1CD90] =	vst v63  }
0x45: {  	p0 =	sne.s32 s17, $0x4D80;
	_ =	swait.ge [sflag:s0], $0x1400  }
0x46: {  	[sflag:s0] =	ssyncset.done $0x0  }
0x47: {  	s15 =	sadd.s32 $0x1A388, s15;
	[sflag:s0] =	ssyncadd.s32 $0xFFFFEC00  }
0x48: {  	[spmem:s3] =	stream.indirect.scatter.add.f32 [tilespmem:s4], [sflag:$0x2], $0x80, s15, s31, $0xb8;
	[tilespmem:$0x1CD90] =	vst v63  }
0x49: {  	_ =	swait.ge [sflag:s26], $0x1400  }
.Ltmp0:
0x4a: {  	[sflag:s26] =	ssyncset.done $0x0;
	(pc) =	sbr.rel @p0 .LBB2_2-.Ltmp0, $4  }
0x4b: {  	[sflag:s26] =	ssyncadd.s32 $0xFFFFEC00  }
0x4c: {  	[spmem:s5] =	stream.indirect.scatter.add.f32 [tilespmem:s28], [sflag:$0x2], $0x10, s15, s31, $0xb8;
	[tilespmem:$0x1CD90] =	vst v63  }
0x4d: {  	_ =	swait.ge [sflag:s26], $0x280  }
0x4e: {  	s17 =	smov.u32 s20;
	s15 =	sshra.s32 s19, $0x2;
	[sflag:s26] =	ssyncset.done $0x0  }
0x4f: {  	s17 =	sadd.s32 $0x19000, s15;
	[sflag:s26] =	ssyncadd.s32 $0xFFFFFD80  }
0x50: {  	[tilespmem:s4], [sflag:$0x1] =	stream.indirect.gather [hbm4b:s8+s31], $0x80, s17, s31, $0xb8;
	[tilespmem:$0x1CD90] =	vst v63  }
0x51: {  	_ =	swait.ge [sflag:s0], $0x1400  }
0x52: {  	[sflag:s0] =	ssyncset.done $0x0  }
0x53: {  	s18 =	sadd.s32 $0x1A388, s15;
	[sflag:s0] =	ssyncadd.s32 $0xFFFFEC00  }
0x54: {  	[spmem:s3] =	stream.indirect.scatter.add.f32 [tilespmem:s4], [sflag:$0x2], $0x80, s18, s31, $0xb8;
	[tilespmem:$0x1CD90] =	vst v63  }
0x55: {  	_ =	swait.ge [sflag:s26], $0x1400  }
0x56: {  	[sflag:s26] =	ssyncset.done $0x0  }
0x57: {  	[sflag:s26] =	ssyncadd.s32 $0xFFFFEC00  }
0x58: {  	[spmem:s5] =	stream.indirect.scatter.add.f32 [tilespmem:s28], [sflag:$0x2], $0x10, s18, s31, $0xb8;
	[tilespmem:$0x1CD90] =	vst v63  }
0x59: {  	_ =	swait.ge [sflag:s26], $0x280  }
0x5a: {  	[sflag:s26] =	ssyncset.done $0x0  }
0x5b: {  	[sflag:s26] =	ssyncadd.s32 $0xFFFFFD80  }
0x5c: {  	[bflag:$0x0] =	sbarrier.arrive $0xFFFF  }
0x5d: {  	s19 =	rddreg [dreg:$0xb]  }
0x5e: {  	[hbm:s19], [sflag:s11] =	dma.local [spmem:s9], $0x2800  }
0x5f: {  	_ =	swait.ge [sflag:s26], $0x2800  }
0x60: {  	[sflag:s26] =	ssyncset.done $0x0  }
0x61: {  	[sflag:s26] =	ssyncadd.s32 $0xFFFFD800  }
0x62: {  	[spmem:s9], [sflag:s11] =	dma.local [hbm:s10], $0x2800  }
0x63: {  	_ =	swait.ge [sflag:s26], $0x2800  }
0x64: {  	[sflag:s26] =	ssyncset.done $0x0  }
0x65: {  	[sflag:s26] =	ssyncadd.s32 $0xFFFFD800  }
0x66: {  	[bflag:$0x0] =	sbarrier.arrive $0xFFFF  }
0x67: {  	s20 =	simm.s32 $0x0;
	s18 =	rddreg [dreg:$0xc]  }
0x68: {  	[tilespmem:s29], [sflag:$0x2] =	stream.linear.gather [hbm4b:s18+s20], $0x1388, $0x38;
	[tilespmem:$0x1CD90] =	vst v63  }
0x69: {  	_ =	swait.ge [sflag:s26], $0x1388  }
0x6a: {  	[sflag:s26] =	ssyncset.done $0x0  }
0x6b: {  	[sflag:s26] =	ssyncadd.s32 $0xFFFFEC78  }
0x6c: {  	[tilespmem:s30], [sflag:$0x2] =	stream.linear.gather [hbm4b:s16+s20], $0x1388, $0x38;
	[tilespmem:$0x1CD90] =	vst v63  }
0x6d: {  	_ =	swait.ge [sflag:s26], $0x1388  }
0x6e: {  	[sflag:s26] =	ssyncset.done $0x0  }
0x6f: {  	s19 =	simm.s32 $0x19000;
	[sflag:s26] =	ssyncadd.s32 $0xFFFFEC78  }
0x70: {  	[tilespmem:s4], [sflag:$0x1] =	stream.indirect.gather [hbm4b:s8+s31], $0x80, s19, s31, $0xb8;
	[tilespmem:$0x1CD90] =	vst v63  }
0x71: {  	_ =	swait.ge [sflag:s0], $0x1400  }
0x72: {  	[sflag:s0] =	ssyncset.done $0x0  }
0x73: {  	s20 =	simm.s32 $0x1A388;
	[sflag:s0] =	ssyncadd.s32 $0xFFFFEC00  }
0x74: {  	[spmem:s3] =	stream.indirect.scatter.add.f32 [tilespmem:s4], [sflag:$0x2], $0x80, s20, s31, $0xb8;
	[tilespmem:$0x1CD90] =	vst v63  }
0x75: {  	_ =	swait.ge [sflag:s26], $0x1400  }
0x76: {  	s15 =	simm.s32 $0x28;
	s17 =	simm.s32 $0x140;
	[sflag:s26] =	ssyncset.done $0x0  }
.LBB2_4:
0x77: {  	s18 =	sadd.s32 $0x19000, s15  }
0x78: {  	[sflag:s26] =	ssyncadd.s32 $0xFFFFEC00;
	s19 =	smov.u32 s17;
	s20 =	sadd.s32 $0xA0, s17  }
0x79: {  	[tilespmem:s4], [sflag:$0x1] =	stream.indirect.gather [hbm4b:s8+s31], $0x80, s18, s31, $0xb8;
	[tilespmem:$0x1CD90] =	vst v63  }
0x7a: {  	p0 =	sne.s32 s17, $0x4D80;
	_ =	swait.ge [sflag:s0], $0x1400  }
.Ltmp1:
0x7b: {  	[sflag:s0] =	ssyncset.done $0x0;
	(pc) =	sbr.rel @p0 .LBB2_4-.Ltmp1, $4  }
0x7c: {  	s15 =	sadd.s32 $0x1A388, s15;
	[sflag:s0] =	ssyncadd.s32 $0xFFFFEC00  }
0x7d: {  	[spmem:s3] =	stream.indirect.scatter.add.f32 [tilespmem:s4], [sflag:$0x2], $0x80, s15, s31, $0xb8;
	[tilespmem:$0x1CD90] =	vst v63  }
0x7e: {  	_ =	swait.ge [sflag:s26], $0x1400  }
0x7f: {  	s17 =	smov.u32 s20;
	s15 =	sshra.s32 s19, $0x2;
	[sflag:s26] =	ssyncset.done $0x0  }
0x80: {  	s17 =	sadd.s32 $0x19000, s15;
	[sflag:s26] =	ssyncadd.s32 $0xFFFFEC00  }
0x81: {  	[tilespmem:s4], [sflag:$0x1] =	stream.indirect.gather [hbm4b:s8+s31], $0x80, s17, s31, $0xb8;
	[tilespmem:$0x1CD90] =	vst v63  }
0x82: {  	_ =	swait.ge [sflag:s0], $0x1400  }
0x83: {  	[sflag:s0] =	ssyncset.done $0x0  }
0x84: {  	s18 =	sadd.s32 $0x1A388, s15;
	[sflag:s0] =	ssyncadd.s32 $0xFFFFEC00  }
0x85: {  	[spmem:s3] =	stream.indirect.scatter.add.f32 [tilespmem:s4], [sflag:$0x2], $0x80, s18, s31, $0xb8;
	[tilespmem:$0x1CD90] =	vst v63  }
0x86: {  	_ =	swait.ge [sflag:s26], $0x1400  }
0x87: {  	[sflag:s26] =	ssyncset.done $0x0  }
0x88: {  	[sflag:s26] =	ssyncadd.s32 $0xFFFFEC00  }
0x89: {  	[bflag:$0x0] =	sbarrier.arrive $0xFFFF  }
0x8a: {  	s19 =	rddreg [dreg:$0xd]  }
0x8b: {  	[hbm:s19], [sflag:s11] =	dma.local [spmem:s9], $0x2800  }
0x8c: {  	_ =	swait.ge [sflag:s26], $0x2800  }
0x8d: {  	[sflag:s26] =	ssyncset.done $0x0  }
0x8e: {  	[sflag:s26] =	ssyncadd.s32 $0xFFFFD800  }
0x8f: {  	[spmem:s9], [sflag:s11] =	dma.local [hbm:s10], $0x2800  }
0x90: {  	_ =	swait.ge [sflag:s26], $0x2800  }
0x91: {  	[sflag:s26] =	ssyncset.done $0x0  }
0x92: {  	[sflag:s26] =	ssyncadd.s32 $0xFFFFD800  }
0x93: {  	[bflag:$0x0] =	sbarrier.arrive $0xFFFF  }
0x94: {  	s20 =	simm.s32 $0x0;
	s18 =	rddreg [dreg:$0xe]  }
0x95: {  	[tilespmem:s29], [sflag:$0x2] =	stream.linear.gather [hbm4b:s18+s20], $0x1388, $0x38;
	[tilespmem:$0x1CD90] =	vst v63  }
0x96: {  	_ =	swait.ge [sflag:s26], $0x1388  }
0x97: {  	[sflag:s26] =	ssyncset.done $0x0  }
0x98: {  	[sflag:s26] =	ssyncadd.s32 $0xFFFFEC78  }
0x99: {  	[tilespmem:s30], [sflag:$0x2] =	stream.linear.gather [hbm4b:s21+s20], $0x1388, $0x38;
	[tilespmem:$0x1CD90] =	vst v63  }
0x9a: {  	_ =	swait.ge [sflag:s26], $0x1388  }
0x9b: {  	[sflag:s26] =	ssyncset.done $0x0  }
0x9c: {  	s19 =	simm.s32 $0x19000;
	[sflag:s26] =	ssyncadd.s32 $0xFFFFEC78  }
0x9d: {  	[tilespmem:s4], [sflag:$0x1] =	stream.indirect.gather [hbm4b:s1+s31], $0x80, s19, s31, $0xb8;
	[tilespmem:$0x1CD90] =	vst v63  }
0x9e: {  	_ =	swait.ge [sflag:s0], $0x1400  }
0x9f: {  	[sflag:s0] =	ssyncset.done $0x0  }
0xa0: {  	s20 =	simm.s32 $0x1A388;
	[sflag:s0] =	ssyncadd.s32 $0xFFFFEC00  }
0xa1: {  	[spmem:s3] =	stream.indirect.scatter.add.f32 [tilespmem:s4], [sflag:$0x2], $0x80, s20, s31, $0xb8;
	[tilespmem:$0x1CD90] =	vst v63  }
0xa2: {  	_ =	swait.ge [sflag:s26], $0x1400  }
0xa3: {  	[sflag:s26] =	ssyncset.done $0x0  }
0xa4: {  	[sflag:s26] =	ssyncadd.s32 $0xFFFFEC00  }
0xa5: {  	[spmem:s6] =	stream.indirect.scatter.add.f32 [tilespmem:s28], [sflag:$0x2], $0x10, s20, s31, $0xb8;
	[tilespmem:$0x1CD90] =	vst v63  }
0xa6: {  	_ =	swait.ge [sflag:s26], $0x280  }
0xa7: {  	s15 =	simm.s32 $0x28;
	s17 =	simm.s32 $0x140;
	[sflag:s26] =	ssyncset.done $0x0  }
.LBB2_6:
0xa8: {  	s18 =	sadd.s32 $0x19000, s15  }
0xa9: {  	[sflag:s26] =	ssyncadd.s32 $0xFFFFFD80;
	s19 =	smov.u32 s17;
	s20 =	sadd.s32 $0xA0, s17  }
0xaa: {  	[tilespmem:s4], [sflag:$0x1] =	stream.indirect.gather [hbm4b:s1+s31], $0x80, s18, s31, $0xb8;
	[tilespmem:$0x1CD90] =	vst v63  }
0xab: {  	p0 =	sne.s32 s17, $0x4D80;
	_ =	swait.ge [sflag:s0], $0x1400  }
0xac: {  	[sflag:s0] =	ssyncset.done $0x0  }
0xad: {  	s15 =	sadd.s32 $0x1A388, s15;
	[sflag:s0] =	ssyncadd.s32 $0xFFFFEC00  }
0xae: {  	[spmem:s3] =	stream.indirect.scatter.add.f32 [tilespmem:s4], [sflag:$0x2], $0x80, s15, s31, $0xb8;
	[tilespmem:$0x1CD90] =	vst v63  }
0xaf: {  	_ =	swait.ge [sflag:s26], $0x1400  }
.Ltmp2:
0xb0: {  	[sflag:s26] =	ssyncset.done $0x0;
	(pc) =	sbr.rel @p0 .LBB2_6-.Ltmp2, $4  }
0xb1: {  	[sflag:s26] =	ssyncadd.s32 $0xFFFFEC00  }
0xb2: {  	[spmem:s6] =	stream.indirect.scatter.add.f32 [tilespmem:s28], [sflag:$0x2], $0x10, s15, s31, $0xb8;
	[tilespmem:$0x1CD90] =	vst v63  }
0xb3: {  	_ =	swait.ge [sflag:s26], $0x280  }
0xb4: {  	s17 =	smov.u32 s20;
	s15 =	sshra.s32 s19, $0x2;
	[sflag:s26] =	ssyncset.done $0x0  }
0xb5: {  	s17 =	sadd.s32 $0x19000, s15;
	[sflag:s26] =	ssyncadd.s32 $0xFFFFFD80  }
0xb6: {  	[tilespmem:s4], [sflag:$0x1] =	stream.indirect.gather [hbm4b:s1+s31], $0x80, s17, s31, $0xb8;
	[tilespmem:$0x1CD90] =	vst v63  }
0xb7: {  	_ =	swait.ge [sflag:s0], $0x1400  }
0xb8: {  	[sflag:s0] =	ssyncset.done $0x0  }
0xb9: {  	s20 =	sadd.s32 $0x1A388, s15;
	[sflag:s0] =	ssyncadd.s32 $0xFFFFEC00  }
0xba: {  	[spmem:s3] =	stream.indirect.scatter.add.f32 [tilespmem:s4], [sflag:$0x2], $0x80, s20, s31, $0xb8;
	[tilespmem:$0x1CD90] =	vst v63  }
0xbb: {  	_ =	swait.ge [sflag:s26], $0x1400  }
0xbc: {  	[sflag:s26] =	ssyncset.done $0x0  }
0xbd: {  	[sflag:s26] =	ssyncadd.s32 $0xFFFFEC00  }
0xbe: {  	[spmem:s6] =	stream.indirect.scatter.add.f32 [tilespmem:s28], [sflag:$0x2], $0x10, s20, s31, $0xb8;
	[tilespmem:$0x1CD90] =	vst v63  }
0xbf: {  	_ =	swait.ge [sflag:s26], $0x280  }
0xc0: {  	[sflag:s26] =	ssyncset.done $0x0  }
0xc1: {  	[sflag:s26] =	ssyncadd.s32 $0xFFFFFD80  }
0xc2: {  	[bflag:$0x0] =	sbarrier.arrive $0xFFFF  }
0xc3: {  	[hbm:s22], [sflag:s11] =	dma.local [spmem:s9], $0x2800  }
0xc4: {  	_ =	swait.ge [sflag:s26], $0x2800  }
0xc5: {  	[sflag:s26] =	ssyncset.done $0x0  }
0xc6: {  	[sflag:s26] =	ssyncadd.s32 $0xFFFFD800  }
0xc7: {  	[spmem:s9], [sflag:s11] =	dma.local [hbm:s10], $0x2800  }
0xc8: {  	_ =	swait.ge [sflag:s26], $0x2800  }
0xc9: {  	[sflag:s26] =	ssyncset.done $0x0  }
0xca: {  	[sflag:s26] =	ssyncadd.s32 $0xFFFFD800  }
0xcb: {  	[bflag:$0x0] =	sbarrier.arrive $0xFFFF  }
0xcc: {  	[hbm:s23], [sflag:s11] =	dma.local [spmem:s12], $0x500  }
0xcd: {  	s2 =	sadd.s32 $0x1, s2;
	_ =	swait.ge [sflag:s26], $0x500  }
0xce: {  	p0 =	sne.s32 s2, s25;
	[sflag:s26] =	ssyncset.done $0x0  }
.Ltmp3:
0xcf: {  	[sflag:s26] =	ssyncadd.s32 $0xFFFFFB00;
	(pc) =	sbr.rel @p0 .LBB2_1-.Ltmp3, $4  }
0xd0: {  	[hbm:s24], [sflag:s11] =	dma.local [spmem:s14], $0x500  }
0xd1: {  	_ =	swait.ge [sflag:s26], $0x500  }
0xd2: {  	[sflag:s26] =	ssyncset.done $0x0  }
0xd3: {  	[sflag:s26] =	ssyncadd.s32 $0xFFFFFB00  }
0xd4: {  	_ =	sfence.sel $0x180000  }
0xd5: {  	[bflag:$0x0] =	sbarrier.arrive $0xFFFF  }
0xd6: {  	_ =	strace $0x90000047  }
0xd7: {  	s0 =	stileid.u32;
	[bflag:$0x2] =	sbarrier.arrive $0xFFFF  }
0xd8: {  	p0 =	sne.s32 s0, $0x0;
	s0 =	rddreg [dreg:$0x6]  }
0xd9: {  	s0 =	sadd.s32 @!p0 $0x100000, s0  }
0xda: {  	[sflag:s0] =	ssyncadd.tile.s32 @!p0 $0x1;
	_ =	shalt  }
.Lfunc_end2:
_tile_overlayer_lowered:
.L_overlay_start_2:
0xdb: {  	(tag) =	ssettag $0x2  }
0xdc: {  	s0 =	rddreg [dreg:$0x0];
	s2 =	stileid.u32  }
0xdd: {  	s1 =	rddreg [dreg:$0x1];
	p0 =	sne.s32 s2, $0x0  }
0xde: {  	s3 =	rddreg [dreg:$0x2];
	[bflag:$0x3] =	sbarrier.arrive $0xFFFF;
	s2 =	simm.s32 @!p0 $0x1C02  }
0xdf: {  	[timem:s3], [sflag:s2] =	dma.local @!p0 [hbm:s0], s1  }
0xe0: {  	s0 =	simm.s32 @!p0 $0x2  }
0xe1: {  	_ =	swait.ge @!p0 [sflag:s0], s1  }
0xe2: {  	s1 =	ssub.s32 @!p0 $0x0, s1;
	[sflag:s0] =	ssyncset.done @!p0 $0x0  }
0xe3: {  	[sflag:s0] =	ssyncadd.s32 @!p0 s1  }
0xe4: {  	[bflag:$0x3] =	sbarrier.arrive $0xFFFF  }
0xe5: {  	_ =	shalt  }

</sc_bundles>
